<compile_context>
chip_gen: v7x
topology: tpu7x:2x2x1
jax: 0.10.2.dev20260603
libtpu: 0.0.44.dev20260713+nightly
codegen_flags: <defaults>
</compile_context>

<pallas_src>
import functools

import jax
import jax.numpy as jnp
from jax import lax
from jax.experimental import pallas as pl
from jax.experimental.pallas import tpu as pltpu
from jax.experimental.pallas import tpu_sc as plsc

N_NODES = 10000
N_EDGES = 320000
D = 128

NC = 2
NS = 16
NW = NC * NS

CH = 125
KPW = 80

NPAD = 10240
STRIPE = NPAD // NS

_f32 = jnp.float32
_bf16 = jnp.bfloat16


def _sc_body(want_cnt, *refs):
    if want_cnt:
        (table, eidx, ones, aggp, cntp,
         src_v, dst_v, rows0, ones_v, zbuf, sh_agg, sh_cnt, sem) = refs
    else:
        (table, eidx, aggp,
         src_v, dst_v, rows0, zbuf, sh_agg, sem) = refs
    c = lax.axis_index("c")
    s = lax.axis_index("s")
    w = c * NS + s
    r0 = s * STRIPE

    @pl.loop(0, 64)
    def zfill(jj):
        for i in range(D // 16):
            zbuf[jj, pl.ds(i * 16, 16)] = jnp.zeros((16,), _f32)

    for k in range(STRIPE // 64):
        pltpu.sync_copy(zbuf, sh_agg.at[pl.ds(r0 + k * 64, 64)])
    if want_cnt:
        for k in range(STRIPE // 128):
            pltpu.sync_copy(zbuf.at[0], sh_cnt.at[pl.ds(r0 + k * 128, 128)])
    if want_cnt:
        pltpu.sync_copy(ones, ones_v)

    pltpu.sync_copy(eidx.at[0].at[pl.ds(w * KPW, KPW)], src_v)
    pltpu.sync_copy(eidx.at[1].at[pl.ds(w * KPW, KPW)], dst_v)
    plsc.subcore_barrier()

    def chunk(j, carry):
        pltpu.async_copy(table.at[src_v.at[j]], rows0, sem).wait()
        pltpu.sync_copy(rows0, sh_agg.at[dst_v.at[j]], add=True)
        if want_cnt:
            pltpu.sync_copy(ones_v, sh_cnt.at[dst_v.at[j]], add=True)
        return carry

    lax.fori_loop(0, KPW, chunk, 0)
    plsc.subcore_barrier()

    pltpu.sync_copy(sh_agg.at[pl.ds(r0, STRIPE)], aggp.at[c].at[pl.ds(r0, STRIPE)])
    if want_cnt:
        pltpu.sync_copy(sh_cnt.at[pl.ds(r0, STRIPE)], cntp.at[c].at[pl.ds(r0, STRIPE)])


def _make_sc_kernel(want_cnt):
    out_type = [jax.ShapeDtypeStruct((NC, NPAD, D), _f32)]
    if want_cnt:
        out_type.append(jax.ShapeDtypeStruct((NC, NPAD), _f32))
    scratch = [
        pltpu.VMEM((KPW, CH), jnp.int32),
        pltpu.VMEM((KPW, CH), jnp.int32),
        pltpu.VMEM((CH, D), _f32),
    ]
    if want_cnt:
        scratch.append(pltpu.VMEM((CH,), _f32))
    scratch.append(pltpu.VMEM((64, D), _f32))
    scratch.append(pltpu.VMEM_SHARED((NPAD, D), _f32))
    if want_cnt:
        scratch.append(pltpu.VMEM_SHARED((NPAD,), _f32))
    scratch.append(pltpu.SemaphoreType.DMA)
    mesh = plsc.VectorSubcoreMesh(core_axis_name="c", subcore_axis_name="s")
    return pl.kernel(
        functools.partial(_sc_body, want_cnt),
        out_type=tuple(out_type) if want_cnt else out_type[0],
        mesh=mesh,
        scratch_types=scratch,
        name="sage_sc_agg" + ("_cnt" if want_cnt else ""),
    )


_sc_agg_cnt = _make_sc_kernel(True)
_sc_agg = _make_sc_kernel(False)


def _tc_body(relu, aggp, cnt3, x, wl, bl, wr, out):
    agg = aggp[0] + aggp[1]
    cnt = cnt3[0] + cnt3[1]
    mean = agg / jnp.maximum(cnt, 1.0)
    h = (lax.dot_general(mean, wl[...], (((1,), (1,)), ((), ())),
                         preferred_element_type=_f32)
         + bl[...]
         + lax.dot_general(x[...], wr[...], (((1,), (1,)), ((), ())),
                           preferred_element_type=_f32))
    if relu:
        h = jnp.maximum(h, 0.0)
    out[...] = h


_TCR = 2000


def _tc_layer(aggp, cnt3, x, wl, bl, wr, relu):
    grid = N_NODES // _TCR
    return pl.pallas_call(
        functools.partial(_tc_body, relu),
        grid=(grid,),
        in_specs=[
            pl.BlockSpec((NC, _TCR, D), lambda i: (0, i, 0)),
            pl.BlockSpec((NC, _TCR, 1), lambda i: (0, i, 0)),
            pl.BlockSpec((_TCR, D), lambda i: (i, 0)),
            pl.BlockSpec((D, D), lambda i: (0, 0)),
            pl.BlockSpec((1, D), lambda i: (0, 0)),
            pl.BlockSpec((D, D), lambda i: (0, 0)),
        ],
        out_specs=pl.BlockSpec((_TCR, D), lambda i: (i, 0)),
        out_shape=jax.ShapeDtypeStruct((N_NODES, D), _f32),
        name="sage_tc_dense" + ("_relu" if relu else ""),
    )(aggp, cnt3, x, wl, bl, wr)


def kernel(x, edge_index, W1l, b1, W1r, W2l, b2, W2r):
    eidx = edge_index.astype(jnp.int32).reshape(2, NW * KPW, CH)
    ones = jnp.ones((CH,), _f32)

    aggp, cntp = _sc_agg_cnt(x, eidx, ones)
    cnt3 = cntp.reshape(NC, NPAD, 1)
    b1r = b1.reshape(1, D)
    b2r = b2.reshape(1, D)

    h = _tc_layer(aggp, cnt3, x, W1l, b1r, W1r, relu=True)
    aggp2 = _sc_agg(h, eidx)
    out = _tc_layer(aggp2, cnt3, h, W2l, b2r, W2r, relu=False)
    return out

# --- scband reference (transcript-rebuilt; emitter-appended) ---
"""Pipeline reference for scband-gansage-encoder-1090921693298 (READ-ONLY COPY).

The authoritative reference and input builder live on the scoring server;
editing this copy changes nothing except your own understanding.
"""

import jax, jax.numpy as jnp
import numpy as np

N_NODES = 10000
N_EDGES = 320000
D_IN = 128
D_HID = 128
D_OUT = 128

def setup_inputs(seed: int = 0) -> dict:
    key = jax.random.key(seed)
    ks = [jax.random.fold_in(key, i) for i in range(8)]
    x = jax.random.normal(ks[0], (N_NODES, D_IN), dtype=jnp.float32)
    edge_index = jax.random.randint(ks[1], (2, N_EDGES), 0, N_NODES, dtype=jnp.int64)
    s1 = 1.0 / np.sqrt(D_IN)
    s2 = 1.0 / np.sqrt(D_HID)
    W1l = jax.random.uniform(ks[2], (D_HID, D_IN), jnp.float32, -s1, s1)
    b1 = jax.random.uniform(ks[3], (D_HID,), jnp.float32, -s1, s1)
    W1r = jax.random.uniform(ks[4], (D_HID, D_IN), jnp.float32, -s1, s1)
    W2l = jax.random.uniform(ks[5], (D_OUT, D_HID), jnp.float32, -s2, s2)
    b2 = jax.random.uniform(ks[6], (D_OUT,), jnp.float32, -s2, s2)
    W2r = jax.random.uniform(ks[7], (D_OUT, D_HID), jnp.float32, -s2, s2)
    return {"x": x, "edge_index": edge_index, "W1l": W1l, "b1": b1, "W1r": W1r, "W2l": W2l, "b2": b2, "W2r": W2r}

def _sage_conv(x, edge_index, Wl, bl, Wr):
    # PyG SAGEConv with mean aggregation:
    # out = lin_l(mean_{j in N(i)} x_j) + lin_r(x_i)
    src = edge_index[0]
    dst = edge_index[1]
    msgs = jnp.take(x, src, axis=0)                       # gather [E, d]
    agg = jax.ops.segment_sum(msgs, dst, num_segments=x.shape[0])  # scatter-add
    cnt = jax.ops.segment_sum(jnp.ones((edge_index.shape[1],), dtype=x.dtype), dst, num_segments=x.shape[0])
    mean = agg / jnp.clip(cnt, 1.0, None)[:, None]
    return mean @ Wl.T + bl + x @ Wr.T

def reference(x, edge_index, W1l, b1, W1r, W2l, b2, W2r):
    h = _sage_conv(x, edge_index, W1l, b1, W1r)
    h = jax.nn.relu(h)
    out = _sage_conv(h, edge_index, W2l, b2, W2r)
    return out

if __name__ == "__main__":
    import jax
    _d = setup_inputs()
    print(jax.jit(kernel)(*tuple(_d.values())))

</pallas_src>

<mosaic_0001>
#map = affine_map<(d0, d1) -> (0, 0)>
#map1 = affine_map<(d0, d1) -> (0, 0, 0)>
#map2 = affine_map<(d0, d1) -> (0)>
module attributes {stable_mosaic.version = 14 : i64} {
  func.func @sage_sc_agg_cnt(%arg0: i32, %arg1: i32, %arg2: memref<10000x128xf32, #tpu.memory_space<hbm>>, %arg3: memref<2x2560x125xi32, #tpu.memory_space<hbm>>, %arg4: memref<125xf32, #tpu.memory_space<hbm>>, %arg5: memref<2x10240x128xf32, #tpu.memory_space<hbm>>, %arg6: memref<2x10240xf32, #tpu.memory_space<hbm>>, %arg7: memref<80x125xi32, #tpu.memory_space<vmem>>, %arg8: memref<80x125xi32, #tpu.memory_space<vmem>>, %arg9: memref<125x128xf32, #tpu.memory_space<vmem>>, %arg10: memref<125xf32, #tpu.memory_space<vmem>>, %arg11: memref<64x128xf32, #tpu.memory_space<vmem>>, %arg12: memref<10240x128xf32, #tpu.memory_space<vmem_shared>>, %arg13: memref<10240xf32, #tpu.memory_space<vmem_shared>>, %arg14: memref<!tpu.dma_semaphore, #tpu.memory_space<semaphore_mem>>) attributes {dimension_semantics = [#tpu.dimension_semantics<core_parallel>, #tpu.dimension_semantics<subcore_parallel>], iteration_bounds = array<i64: 2, 16>, scalar_prefetch = 0 : i64, scratch_operands = 8 : i64, tpu.core_type = #tpu.core_type<sc_vector_subcore>, window_params = [{transform_indices = #map}, {transform_indices = #map1}, {transform_indices = #map2}, {transform_indices = #map1}, {transform_indices = #map}]} {
    %mul3A = arith.constant 16 : i32
    %mul3A_0 = arith.muli %arg0, %mul3A : i32
    %add3A = arith.addi %mul3A_0, %arg1 : i32
    %mul3A_1 = arith.constant 640 : i32
    %mul3A_2 = arith.muli %arg1, %mul3A_1 : i32
    %scan3A = arith.constant 0 : i32
    %scan3A_3 = arith.constant 64 : i32
    %scan3A_4 = arith.addi %scan3A, %scan3A_3 : i32
    %scan3A_5 = arith.constant 1 : i32
    scf.for %scan3A_54 = %scan3A to %scan3A_4 step %scan3A_5  : i32 {
      %mul3A_55 = arith.constant 1 : i32
      %mul3A_56 = arith.muli %scan3A_54, %mul3A_55 : i32
      %add3A_57 = arith.constant 0 : i32
      %add3A_58 = arith.addi %add3A_57, %mul3A_56 : i32
      %broadcast_in_dim3A = arith.constant 0.000000e+00 : f32
      %broadcast_in_dim3A_59 = vector.broadcast %broadcast_in_dim3A : f32 to vector<16xf32>
      %swap3A = arith.index_cast %add3A_58 : i32 to index
      %swap3A_60 = arith.constant 0 : index
      %swap3A_61 = tpu.vector_load %arg11[%swap3A, %swap3A_60] {strides = array<i32>} : memref<64x128xf32, #tpu.memory_space<vmem>>, vector<1x16xf32>,
      %swap3A_62 = vector.shape_cast %swap3A_61 : vector<1x16xf32> to vector<16xf32>
      %swap3A_63 = vector.shape_cast %broadcast_in_dim3A_59 : vector<16xf32> to vector<1x16xf32>
      tpu.vector_store %arg11[%swap3A, %swap3A_60], %swap3A_63 {strides = array<i32>} : memref<64x128xf32, #tpu.memory_space<vmem>>, vector<1x16xf32>,
      %broadcast_in_dim3A_64 = arith.constant 0.000000e+00 : f32
      %broadcast_in_dim3A_65 = vector.broadcast %broadcast_in_dim3A_64 : f32 to vector<16xf32>
      %swap3A_66 = arith.index_cast %add3A_58 : i32 to index
      %swap3A_67 = arith.constant 16 : index
      %swap3A_68 = tpu.vector_load %arg11[%swap3A_66, %swap3A_67] {strides = array<i32>} : memref<64x128xf32, #tpu.memory_space<vmem>>, vector<1x16xf32>,
      %swap3A_69 = vector.shape_cast %swap3A_68 : vector<1x16xf32> to vector<16xf32>
      %swap3A_70 = vector.shape_cast %broadcast_in_dim3A_65 : vector<16xf32> to vector<1x16xf32>
      tpu.vector_store %arg11[%swap3A_66, %swap3A_67], %swap3A_70 {strides = array<i32>} : memref<64x128xf32, #tpu.memory_space<vmem>>, vector<1x16xf32>,
      %broadcast_in_dim3A_71 = arith.constant 0.000000e+00 : f32
      %broadcast_in_dim3A_72 = vector.broadcast %broadcast_in_dim3A_71 : f32 to vector<16xf32>
      %swap3A_73 = arith.index_cast %add3A_58 : i32 to index
      %swap3A_74 = arith.constant 32 : index
      %swap3A_75 = tpu.vector_load %arg11[%swap3A_73, %swap3A_74] {strides = array<i32>} : memref<64x128xf32, #tpu.memory_space<vmem>>, vector<1x16xf32>,
      %swap3A_76 = vector.shape_cast %swap3A_75 : vector<1x16xf32> to vector<16xf32>
      %swap3A_77 = vector.shape_cast %broadcast_in_dim3A_72 : vector<16xf32> to vector<1x16xf32>
      tpu.vector_store %arg11[%swap3A_73, %swap3A_74], %swap3A_77 {strides = array<i32>} : memref<64x128xf32, #tpu.memory_space<vmem>>, vector<1x16xf32>,
      %broadcast_in_dim3A_78 = arith.constant 0.000000e+00 : f32
      %broadcast_in_dim3A_79 = vector.broadcast %broadcast_in_dim3A_78 : f32 to vector<16xf32>
      %swap3A_80 = arith.index_cast %add3A_58 : i32 to index
      %swap3A_81 = arith.constant 48 : index
      %swap3A_82 = tpu.vector_load %arg11[%swap3A_80, %swap3A_81] {strides = array<i32>} : memref<64x128xf32, #tpu.memory_space<vmem>>, vector<1x16xf32>,
      %swap3A_83 = vector.shape_cast %swap3A_82 : vector<1x16xf32> to vector<16xf32>
      %swap3A_84 = vector.shape_cast %broadcast_in_dim3A_79 : vector<16xf32> to vector<1x16xf32>
      tpu.vector_store %arg11[%swap3A_80, %swap3A_81], %swap3A_84 {strides = array<i32>} : memref<64x128xf32, #tpu.memory_space<vmem>>, vector<1x16xf32>,
      %broadcast_in_dim3A_85 = arith.constant 0.000000e+00 : f32
      %broadcast_in_dim3A_86 = vector.broadcast %broadcast_in_dim3A_85 : f32 to vector<16xf32>
      %swap3A_87 = arith.index_cast %add3A_58 : i32 to index
      %swap3A_88 = arith.constant 64 : index
      %swap3A_89 = tpu.vector_load %arg11[%swap3A_87, %swap3A_88] {strides = array<i32>} : memref<64x128xf32, #tpu.memory_space<vmem>>, vector<1x16xf32>,
      %swap3A_90 = vector.shape_cast %swap3A_89 : vector<1x16xf32> to vector<16xf32>
      %swap3A_91 = vector.shape_cast %broadcast_in_dim3A_86 : vector<16xf32> to vector<1x16xf32>
      tpu.vector_store %arg11[%swap3A_87, %swap3A_88], %swap3A_91 {strides = array<i32>} : memref<64x128xf32, #tpu.memory_space<vmem>>, vector<1x16xf32>,
      %broadcast_in_dim3A_92 = arith.constant 0.000000e+00 : f32
      %broadcast_in_dim3A_93 = vector.broadcast %broadcast_in_dim3A_92 : f32 to vector<16xf32>
      %swap3A_94 = arith.index_cast %add3A_58 : i32 to index
      %swap3A_95 = arith.constant 80 : index
      %swap3A_96 = tpu.vector_load %arg11[%swap3A_94, %swap3A_95] {strides = array<i32>} : memref<64x128xf32, #tpu.memory_space<vmem>>, vector<1x16xf32>,
      %swap3A_97 = vector.shape_cast %swap3A_96 : vector<1x16xf32> to vector<16xf32>
      %swap3A_98 = vector.shape_cast %broadcast_in_dim3A_93 : vector<16xf32> to vector<1x16xf32>
      tpu.vector_store %arg11[%swap3A_94, %swap3A_95], %swap3A_98 {strides = array<i32>} : memref<64x128xf32, #tpu.memory_space<vmem>>, vector<1x16xf32>,
      %broadcast_in_dim3A_99 = arith.constant 0.000000e+00 : f32
      %broadcast_in_dim3A_100 = vector.broadcast %broadcast_in_dim3A_99 : f32 to vector<16xf32>
      %swap3A_101 = arith.index_cast %add3A_58 : i32 to index
      %swap3A_102 = arith.constant 96 : index
      %swap3A_103 = tpu.vector_load %arg11[%swap3A_101, %swap3A_102] {strides = array<i32>} : memref<64x128xf32, #tpu.memory_space<vmem>>, vector<1x16xf32>,
      %swap3A_104 = vector.shape_cast %swap3A_103 : vector<1x16xf32> to vector<16xf32>
      %swap3A_105 = vector.shape_cast %broadcast_in_dim3A_100 : vector<16xf32> to vector<1x16xf32>
      tpu.vector_store %arg11[%swap3A_101, %swap3A_102], %swap3A_105 {strides = array<i32>} : memref<64x128xf32, #tpu.memory_space<vmem>>, vector<1x16xf32>,
      %broadcast_in_dim3A_106 = arith.constant 0.000000e+00 : f32
      %broadcast_in_dim3A_107 = vector.broadcast %broadcast_in_dim3A_106 : f32 to vector<16xf32>
      %swap3A_108 = arith.index_cast %add3A_58 : i32 to index
      %swap3A_109 = arith.constant 112 : index
      %swap3A_110 = tpu.vector_load %arg11[%swap3A_108, %swap3A_109] {strides = array<i32>} : memref<64x128xf32, #tpu.memory_space<vmem>>, vector<1x16xf32>,
      %swap3A_111 = vector.shape_cast %swap3A_110 : vector<1x16xf32> to vector<16xf32>
      %swap3A_112 = vector.shape_cast %broadcast_in_dim3A_107 : vector<16xf32> to vector<1x16xf32>
      tpu.vector_store %arg11[%swap3A_108, %swap3A_109], %swap3A_112 {strides = array<i32>} : memref<64x128xf32, #tpu.memory_space<vmem>>, vector<1x16xf32>,
    }
    %scan3A_6 = arith.constant 64 : i32
    %add3A_7 = arith.constant 0 : i32
    %add3A_8 = arith.addi %mul3A_2, %add3A_7 : i32
    "tpu.region"() ({
      %run_scoped3A_54 = tpu.sem_alloc : memref<!tpu.dma_semaphore, #tpu.memory_space<semaphore_mem>>
      %dma_start3A = arith.constant 0 : i32
      %dma_start3A_55 = tpu.memref_slice %arg12[%add3A_8, %dma_start3A] : memref<10240x128xf32, #tpu.memory_space<vmem_shared>> -> memref<64x128xf32, #tpu.memory_space<vmem_shared>>
      %dma_start3A_56 = arith.constant 0 : i32
      %dma_start3A_57 = tpu.memref_slice %arg12[%add3A_8, %dma_start3A_56] : memref<10240x128xf32, #tpu.memory_space<vmem_shared>> -> memref<64x128xf32, #tpu.memory_space<vmem_shared>>
      tpu.enqueue_dma source(%arg11 : memref<64x128xf32, #tpu.memory_space<vmem>>) target(%dma_start3A_57 : memref<64x128xf32, #tpu.memory_space<vmem_shared>>) target_semaphore(%run_scoped3A_54 : memref<!tpu.dma_semaphore, #tpu.memory_space<semaphore_mem>>)
      %dma_wait3A = arith.constant 0 : i32
      %dma_wait3A_58 = tpu.memref_slice %arg12[%add3A_8, %dma_wait3A] : memref<10240x128xf32, #tpu.memory_space<vmem_shared>> -> memref<64x128xf32, #tpu.memory_space<vmem_shared>>
      %dma_wait3A_59 = arith.constant 0 : i32
      %dma_wait3A_60 = tpu.memref_slice %arg12[%add3A_8, %dma_wait3A_59] : memref<10240x128xf32, #tpu.memory_space<vmem_shared>> -> memref<64x128xf32, #tpu.memory_space<vmem_shared>>
      tpu.wait_dma2 semaphore(%run_scoped3A_54 : memref<!tpu.dma_semaphore, #tpu.memory_space<semaphore_mem>>) src(%arg11 : memref<64x128xf32, #tpu.memory_space<vmem>>) dst(%dma_wait3A_60 : memref<64x128xf32, #tpu.memory_space<vmem_shared>>)
      tpu.yield
    }) : () -> ()
    %add3A_9 = arith.constant 64 : i32
    %add3A_10 = arith.addi %mul3A_2, %add3A_9 : i32
    "tpu.region"() ({
      %run_scoped3A_54 = tpu.sem_alloc : memref<!tpu.dma_semaphore, #tpu.memory_space<semaphore_mem>>
      %dma_start3A = arith.constant 0 : i32
      %dma_start3A_55 = tpu.memref_slice %arg12[%add3A_10, %dma_start3A] : memref<10240x128xf32, #tpu.memory_space<vmem_shared>> -> memref<64x128xf32, #tpu.memory_space<vmem_shared>>
      %dma_start3A_56 = arith.constant 0 : i32
      %dma_start3A_57 = tpu.memref_slice %arg12[%add3A_10, %dma_start3A_56] : memref<10240x128xf32, #tpu.memory_space<vmem_shared>> -> memref<64x128xf32, #tpu.memory_space<vmem_shared>>
      tpu.enqueue_dma source(%arg11 : memref<64x128xf32, #tpu.memory_space<vmem>>) target(%dma_start3A_57 : memref<64x128xf32, #tpu.memory_space<vmem_shared>>) target_semaphore(%run_scoped3A_54 : memref<!tpu.dma_semaphore, #tpu.memory_space<semaphore_mem>>)
      %dma_wait3A = arith.constant 0 : i32
      %dma_wait3A_58 = tpu.memref_slice %arg12[%add3A_10, %dma_wait3A] : memref<10240x128xf32, #tpu.memory_space<vmem_shared>> -> memref<64x128xf32, #tpu.memory_space<vmem_shared>>
      %dma_wait3A_59 = arith.constant 0 : i32
      %dma_wait3A_60 = tpu.memref_slice %arg12[%add3A_10, %dma_wait3A_59] : memref<10240x128xf32, #tpu.memory_space<vmem_shared>> -> memref<64x128xf32, #tpu.memory_space<vmem_shared>>
      tpu.wait_dma2 semaphore(%run_scoped3A_54 : memref<!tpu.dma_semaphore, #tpu.memory_space<semaphore_mem>>) src(%arg11 : memref<64x128xf32, #tpu.memory_space<vmem>>) dst(%dma_wait3A_60 : memref<64x128xf32, #tpu.memory_space<vmem_shared>>)
      tpu.yield
    }) : () -> ()
    %add3A_11 = arith.constant 128 : i32
    %add3A_12 = arith.addi %mul3A_2, %add3A_11 : i32
    "tpu.region"() ({
      %run_scoped3A_54 = tpu.sem_alloc : memref<!tpu.dma_semaphore, #tpu.memory_space<semaphore_mem>>
      %dma_start3A = arith.constant 0 : i32
      %dma_start3A_55 = tpu.memref_slice %arg12[%add3A_12, %dma_start3A] : memref<10240x128xf32, #tpu.memory_space<vmem_shared>> -> memref<64x128xf32, #tpu.memory_space<vmem_shared>>
      %dma_start3A_56 = arith.constant 0 : i32
      %dma_start3A_57 = tpu.memref_slice %arg12[%add3A_12, %dma_start3A_56] : memref<10240x128xf32, #tpu.memory_space<vmem_shared>> -> memref<64x128xf32, #tpu.memory_space<vmem_shared>>
      tpu.enqueue_dma source(%arg11 : memref<64x128xf32, #tpu.memory_space<vmem>>) target(%dma_start3A_57 : memref<64x128xf32, #tpu.memory_space<vmem_shared>>) target_semaphore(%run_scoped3A_54 : memref<!tpu.dma_semaphore, #tpu.memory_space<semaphore_mem>>)
      %dma_wait3A = arith.constant 0 : i32
      %dma_wait3A_58 = tpu.memref_slice %arg12[%add3A_12, %dma_wait3A] : memref<10240x128xf32, #tpu.memory_space<vmem_shared>> -> memref<64x128xf32, #tpu.memory_space<vmem_shared>>
      %dma_wait3A_59 = arith.constant 0 : i32
      %dma_wait3A_60 = tpu.memref_slice %arg12[%add3A_12, %dma_wait3A_59] : memref<10240x128xf32, #tpu.memory_space<vmem_shared>> -> memref<64x128xf32, #tpu.memory_space<vmem_shared>>
      tpu.wait_dma2 semaphore(%run_scoped3A_54 : memref<!tpu.dma_semaphore, #tpu.memory_space<semaphore_mem>>) src(%arg11 : memref<64x128xf32, #tpu.memory_space<vmem>>) dst(%dma_wait3A_60 : memref<64x128xf32, #tpu.memory_space<vmem_shared>>)
      tpu.yield
    }) : () -> ()
    %add3A_13 = arith.constant 192 : i32
    %add3A_14 = arith.addi %mul3A_2, %add3A_13 : i32
    "tpu.region"() ({
      %run_scoped3A_54 = tpu.sem_alloc : memref<!tpu.dma_semaphore, #tpu.memory_space<semaphore_mem>>
      %dma_start3A = arith.constant 0 : i32
      %dma_start3A_55 = tpu.memref_slice %arg12[%add3A_14, %dma_start3A] : memref<10240x128xf32, #tpu.memory_space<vmem_shared>> -> memref<64x128xf32, #tpu.memory_space<vmem_shared>>
      %dma_start3A_56 = arith.constant 0 : i32
      %dma_start3A_57 = tpu.memref_slice %arg12[%add3A_14, %dma_start3A_56] : memref<10240x128xf32, #tpu.memory_space<vmem_shared>> -> memref<64x128xf32, #tpu.memory_space<vmem_shared>>
      tpu.enqueue_dma source(%arg11 : memref<64x128xf32, #tpu.memory_space<vmem>>) target(%dma_start3A_57 : memref<64x128xf32, #tpu.memory_space<vmem_shared>>) target_semaphore(%run_scoped3A_54 : memref<!tpu.dma_semaphore, #tpu.memory_space<semaphore_mem>>)
      %dma_wait3A = arith.constant 0 : i32
      %dma_wait3A_58 = tpu.memref_slice %arg12[%add3A_14, %dma_wait3A] : memref<10240x128xf32, #tpu.memory_space<vmem_shared>> -> memref<64x128xf32, #tpu.memory_space<vmem_shared>>
      %dma_wait3A_59 = arith.constant 0 : i32
      %dma_wait3A_60 = tpu.memref_slice %arg12[%add3A_14, %dma_wait3A_59] : memref<10240x128xf32, #tpu.memory_space<vmem_shared>> -> memref<64x128xf32, #tpu.memory_space<vmem_shared>>
      tpu.wait_dma2 semaphore(%run_scoped3A_54 : memref<!tpu.dma_semaphore, #tpu.memory_space<semaphore_mem>>) src(%arg11 : memref<64x128xf32, #tpu.memory_space<vmem>>) dst(%dma_wait3A_60 : memref<64x128xf32, #tpu.memory_space<vmem_shared>>)
      tpu.yield
    }) : () -> ()
    %add3A_15 = arith.constant 256 : i32
    %add3A_16 = arith.addi %mul3A_2, %add3A_15 : i32
    "tpu.region"() ({
      %run_scoped3A_54 = tpu.sem_alloc : memref<!tpu.dma_semaphore, #tpu.memory_space<semaphore_mem>>
      %dma_start3A = arith.constant 0 : i32
      %dma_start3A_55 = tpu.memref_slice %arg12[%add3A_16, %dma_start3A] : memref<10240x128xf32, #tpu.memory_space<vmem_shared>> -> memref<64x128xf32, #tpu.memory_space<vmem_shared>>
      %dma_start3A_56 = arith.constant 0 : i32
      %dma_start3A_57 = tpu.memref_slice %arg12[%add3A_16, %dma_start3A_56] : memref<10240x128xf32, #tpu.memory_space<vmem_shared>> -> memref<64x128xf32, #tpu.memory_space<vmem_shared>>
      tpu.enqueue_dma source(%arg11 : memref<64x128xf32, #tpu.memory_space<vmem>>) target(%dma_start3A_57 : memref<64x128xf32, #tpu.memory_space<vmem_shared>>) target_semaphore(%run_scoped3A_54 : memref<!tpu.dma_semaphore, #tpu.memory_space<semaphore_mem>>)
      %dma_wait3A = arith.constant 0 : i32
      %dma_wait3A_58 = tpu.memref_slice %arg12[%add3A_16, %dma_wait3A] : memref<10240x128xf32, #tpu.memory_space<vmem_shared>> -> memref<64x128xf32, #tpu.memory_space<vmem_shared>>
      %dma_wait3A_59 = arith.constant 0 : i32
      %dma_wait3A_60 = tpu.memref_slice %arg12[%add3A_16, %dma_wait3A_59] : memref<10240x128xf32, #tpu.memory_space<vmem_shared>> -> memref<64x128xf32, #tpu.memory_space<vmem_shared>>
      tpu.wait_dma2 semaphore(%run_scoped3A_54 : memref<!tpu.dma_semaphore, #tpu.memory_space<semaphore_mem>>) src(%arg11 : memref<64x128xf32, #tpu.memory_space<vmem>>) dst(%dma_wait3A_60 : memref<64x128xf32, #tpu.memory_space<vmem_shared>>)
      tpu.yield
    }) : () -> ()
    %add3A_17 = arith.constant 320 : i32
    %add3A_18 = arith.addi %mul3A_2, %add3A_17 : i32
    "tpu.region"() ({
      %run_scoped3A_54 = tpu.sem_alloc : memref<!tpu.dma_semaphore, #tpu.memory_space<semaphore_mem>>
      %dma_start3A = arith.constant 0 : i32
      %dma_start3A_55 = tpu.memref_slice %arg12[%add3A_18, %dma_start3A] : memref<10240x128xf32, #tpu.memory_space<vmem_shared>> -> memref<64x128xf32, #tpu.memory_space<vmem_shared>>
      %dma_start3A_56 = arith.constant 0 : i32
      %dma_start3A_57 = tpu.memref_slice %arg12[%add3A_18, %dma_start3A_56] : memref<10240x128xf32, #tpu.memory_space<vmem_shared>> -> memref<64x128xf32, #tpu.memory_space<vmem_shared>>
      tpu.enqueue_dma source(%arg11 : memref<64x128xf32, #tpu.memory_space<vmem>>) target(%dma_start3A_57 : memref<64x128xf32, #tpu.memory_space<vmem_shared>>) target_semaphore(%run_scoped3A_54 : memref<!tpu.dma_semaphore, #tpu.memory_space<semaphore_mem>>)
      %dma_wait3A = arith.constant 0 : i32
      %dma_wait3A_58 = tpu.memref_slice %arg12[%add3A_18, %dma_wait3A] : memref<10240x128xf32, #tpu.memory_space<vmem_shared>> -> memref<64x128xf32, #tpu.memory_space<vmem_shared>>
      %dma_wait3A_59 = arith.constant 0 : i32
      %dma_wait3A_60 = tpu.memref_slice %arg12[%add3A_18, %dma_wait3A_59] : memref<10240x128xf32, #tpu.memory_space<vmem_shared>> -> memref<64x128xf32, #tpu.memory_space<vmem_shared>>
      tpu.wait_dma2 semaphore(%run_scoped3A_54 : memref<!tpu.dma_semaphore, #tpu.memory_space<semaphore_mem>>) src(%arg11 : memref<64x128xf32, #tpu.memory_space<vmem>>) dst(%dma_wait3A_60 : memref<64x128xf32, #tpu.memory_space<vmem_shared>>)
      tpu.yield
    }) : () -> ()
    %add3A_19 = arith.constant 384 : i32
    %add3A_20 = arith.addi %mul3A_2, %add3A_19 : i32
    "tpu.region"() ({
      %run_scoped3A_54 = tpu.sem_alloc : memref<!tpu.dma_semaphore, #tpu.memory_space<semaphore_mem>>
      %dma_start3A = arith.constant 0 : i32
      %dma_start3A_55 = tpu.memref_slice %arg12[%add3A_20, %dma_start3A] : memref<10240x128xf32, #tpu.memory_space<vmem_shared>> -> memref<64x128xf32, #tpu.memory_space<vmem_shared>>
      %dma_start3A_56 = arith.constant 0 : i32
      %dma_start3A_57 = tpu.memref_slice %arg12[%add3A_20, %dma_start3A_56] : memref<10240x128xf32, #tpu.memory_space<vmem_shared>> -> memref<64x128xf32, #tpu.memory_space<vmem_shared>>
      tpu.enqueue_dma source(%arg11 : memref<64x128xf32, #tpu.memory_space<vmem>>) target(%dma_start3A_57 : memref<64x128xf32, #tpu.memory_space<vmem_shared>>) target_semaphore(%run_scoped3A_54 : memref<!tpu.dma_semaphore, #tpu.memory_space<semaphore_mem>>)
      %dma_wait3A = arith.constant 0 : i32
      %dma_wait3A_58 = tpu.memref_slice %arg12[%add3A_20, %dma_wait3A] : memref<10240x128xf32, #tpu.memory_space<vmem_shared>> -> memref<64x128xf32, #tpu.memory_space<vmem_shared>>
      %dma_wait3A_59 = arith.constant 0 : i32
      %dma_wait3A_60 = tpu.memref_slice %arg12[%add3A_20, %dma_wait3A_59] : memref<10240x128xf32, #tpu.memory_space<vmem_shared>> -> memref<64x128xf32, #tpu.memory_space<vmem_shared>>
      tpu.wait_dma2 semaphore(%run_scoped3A_54 : memref<!tpu.dma_semaphore, #tpu.memory_space<semaphore_mem>>) src(%arg11 : memref<64x128xf32, #tpu.memory_space<vmem>>) dst(%dma_wait3A_60 : memref<64x128xf32, #tpu.memory_space<vmem_shared>>)
      tpu.yield
    }) : () -> ()
    %add3A_21 = arith.constant 448 : i32
    %add3A_22 = arith.addi %mul3A_2, %add3A_21 : i32
    "tpu.region"() ({
      %run_scoped3A_54 = tpu.sem_alloc : memref<!tpu.dma_semaphore, #tpu.memory_space<semaphore_mem>>
      %dma_start3A = arith.constant 0 : i32
      %dma_start3A_55 = tpu.memref_slice %arg12[%add3A_22, %dma_start3A] : memref<10240x128xf32, #tpu.memory_space<vmem_shared>> -> memref<64x128xf32, #tpu.memory_space<vmem_shared>>
      %dma_start3A_56 = arith.constant 0 : i32
      %dma_start3A_57 = tpu.memref_slice %arg12[%add3A_22, %dma_start3A_56] : memref<10240x128xf32, #tpu.memory_space<vmem_shared>> -> memref<64x128xf32, #tpu.memory_space<vmem_shared>>
      tpu.enqueue_dma source(%arg11 : memref<64x128xf32, #tpu.memory_space<vmem>>) target(%dma_start3A_57 : memref<64x128xf32, #tpu.memory_space<vmem_shared>>) target_semaphore(%run_scoped3A_54 : memref<!tpu.dma_semaphore, #tpu.memory_space<semaphore_mem>>)
      %dma_wait3A = arith.constant 0 : i32
      %dma_wait3A_58 = tpu.memref_slice %arg12[%add3A_22, %dma_wait3A] : memref<10240x128xf32, #tpu.memory_space<vmem_shared>> -> memref<64x128xf32, #tpu.memory_space<vmem_shared>>
      %dma_wait3A_59 = arith.constant 0 : i32
      %dma_wait3A_60 = tpu.memref_slice %arg12[%add3A_22, %dma_wait3A_59] : memref<10240x128xf32, #tpu.memory_space<vmem_shared>> -> memref<64x128xf32, #tpu.memory_space<vmem_shared>>
      tpu.wait_dma2 semaphore(%run_scoped3A_54 : memref<!tpu.dma_semaphore, #tpu.memory_space<semaphore_mem>>) src(%arg11 : memref<64x128xf32, #tpu.memory_space<vmem>>) dst(%dma_wait3A_60 : memref<64x128xf32, #tpu.memory_space<vmem_shared>>)
      tpu.yield
    }) : () -> ()
    %add3A_23 = arith.constant 512 : i32
    %add3A_24 = arith.addi %mul3A_2, %add3A_23 : i32
    "tpu.region"() ({
      %run_scoped3A_54 = tpu.sem_alloc : memref<!tpu.dma_semaphore, #tpu.memory_space<semaphore_mem>>
      %dma_start3A = arith.constant 0 : i32
      %dma_start3A_55 = tpu.memref_slice %arg12[%add3A_24, %dma_start3A] : memref<10240x128xf32, #tpu.memory_space<vmem_shared>> -> memref<64x128xf32, #tpu.memory_space<vmem_shared>>
      %dma_start3A_56 = arith.constant 0 : i32
      %dma_start3A_57 = tpu.memref_slice %arg12[%add3A_24, %dma_start3A_56] : memref<10240x128xf32, #tpu.memory_space<vmem_shared>> -> memref<64x128xf32, #tpu.memory_space<vmem_shared>>
      tpu.enqueue_dma source(%arg11 : memref<64x128xf32, #tpu.memory_space<vmem>>) target(%dma_start3A_57 : memref<64x128xf32, #tpu.memory_space<vmem_shared>>) target_semaphore(%run_scoped3A_54 : memref<!tpu.dma_semaphore, #tpu.memory_space<semaphore_mem>>)
      %dma_wait3A = arith.constant 0 : i32
      %dma_wait3A_58 = tpu.memref_slice %arg12[%add3A_24, %dma_wait3A] : memref<10240x128xf32, #tpu.memory_space<vmem_shared>> -> memref<64x128xf32, #tpu.memory_space<vmem_shared>>
      %dma_wait3A_59 = arith.constant 0 : i32
      %dma_wait3A_60 = tpu.memref_slice %arg12[%add3A_24, %dma_wait3A_59] : memref<10240x128xf32, #tpu.memory_space<vmem_shared>> -> memref<64x128xf32, #tpu.memory_space<vmem_shared>>
      tpu.wait_dma2 semaphore(%run_scoped3A_54 : memref<!tpu.dma_semaphore, #tpu.memory_space<semaphore_mem>>) src(%arg11 : memref<64x128xf32, #tpu.memory_space<vmem>>) dst(%dma_wait3A_60 : memref<64x128xf32, #tpu.memory_space<vmem_shared>>)
      tpu.yield
    }) : () -> ()
    %add3A_25 = arith.constant 576 : i32
    %add3A_26 = arith.addi %mul3A_2, %add3A_25 : i32
    "tpu.region"() ({
      %run_scoped3A_54 = tpu.sem_alloc : memref<!tpu.dma_semaphore, #tpu.memory_space<semaphore_mem>>
      %dma_start3A = arith.constant 0 : i32
      %dma_start3A_55 = tpu.memref_slice %arg12[%add3A_26, %dma_start3A] : memref<10240x128xf32, #tpu.memory_space<vmem_shared>> -> memref<64x128xf32, #tpu.memory_space<vmem_shared>>
      %dma_start3A_56 = arith.constant 0 : i32
      %dma_start3A_57 = tpu.memref_slice %arg12[%add3A_26, %dma_start3A_56] : memref<10240x128xf32, #tpu.memory_space<vmem_shared>> -> memref<64x128xf32, #tpu.memory_space<vmem_shared>>
      tpu.enqueue_dma source(%arg11 : memref<64x128xf32, #tpu.memory_space<vmem>>) target(%dma_start3A_57 : memref<64x128xf32, #tpu.memory_space<vmem_shared>>) target_semaphore(%run_scoped3A_54 : memref<!tpu.dma_semaphore, #tpu.memory_space<semaphore_mem>>)
      %dma_wait3A = arith.constant 0 : i32
      %dma_wait3A_58 = tpu.memref_slice %arg12[%add3A_26, %dma_wait3A] : memref<10240x128xf32, #tpu.memory_space<vmem_shared>> -> memref<64x128xf32, #tpu.memory_space<vmem_shared>>
      %dma_wait3A_59 = arith.constant 0 : i32
      %dma_wait3A_60 = tpu.memref_slice %arg12[%add3A_26, %dma_wait3A_59] : memref<10240x128xf32, #tpu.memory_space<vmem_shared>> -> memref<64x128xf32, #tpu.memory_space<vmem_shared>>
      tpu.wait_dma2 semaphore(%run_scoped3A_54 : memref<!tpu.dma_semaphore, #tpu.memory_space<semaphore_mem>>) src(%arg11 : memref<64x128xf32, #tpu.memory_space<vmem>>) dst(%dma_wait3A_60 : memref<64x128xf32, #tpu.memory_space<vmem_shared>>)
      tpu.yield
    }) : () -> ()
    %add3A_27 = arith.constant 0 : i32
    %add3A_28 = arith.addi %mul3A_2, %add3A_27 : i32
    %run_scoped3A = arith.constant 0 : i32
    "tpu.region"() ({
      %run_scoped3A_54 = tpu.sem_alloc : memref<!tpu.dma_semaphore, #tpu.memory_space<semaphore_mem>>
      %dma_start3A = arith.constant 0 : i32
      %dma_start3A_55 = tpu.memref_slice %arg11[%run_scoped3A, %dma_start3A] : memref<64x128xf32, #tpu.memory_space<vmem>> -> memref<1x128xf32, #tpu.memory_space<vmem>>
      %dma_start3A_56 = tpu.memref_squeeze %dma_start3A_55 : memref<1x128xf32, #tpu.memory_space<vmem>> -> memref<128xf32, #tpu.memory_space<vmem>>
      %dma_start3A_57 = tpu.memref_slice %arg13[%add3A_28] : memref<10240xf32, #tpu.memory_space<vmem_shared>> -> memref<128xf32, #tpu.memory_space<vmem_shared>>
      %dma_start3A_58 = tpu.memref_slice %arg13[%add3A_28] : memref<10240xf32, #tpu.memory_space<vmem_shared>> -> memref<128xf32, #tpu.memory_space<vmem_shared>>
      %dma_start3A_59 = arith.constant 0 : i32
      %dma_start3A_60 = tpu.memref_slice %arg11[%run_scoped3A, %dma_start3A_59] : memref<64x128xf32, #tpu.memory_space<vmem>> -> memref<1x128xf32, #tpu.memory_space<vmem>>
      %dma_start3A_61 = tpu.memref_squeeze %dma_start3A_60 : memref<1x128xf32, #tpu.memory_space<vmem>> -> memref<128xf32, #tpu.memory_space<vmem>>
      tpu.enqueue_dma source(%dma_start3A_61 : memref<128xf32, #tpu.memory_space<vmem>>) target(%dma_start3A_58 : memref<128xf32, #tpu.memory_space<vmem_shared>>) target_semaphore(%run_scoped3A_54 : memref<!tpu.dma_semaphore, #tpu.memory_space<semaphore_mem>>)
      %dma_wait3A = arith.constant 0 : i32
      %dma_wait3A_62 = tpu.memref_slice %arg11[%run_scoped3A, %dma_wait3A] : memref<64x128xf32, #tpu.memory_space<vmem>> -> memref<1x128xf32, #tpu.memory_space<vmem>>
      %dma_wait3A_63 = tpu.memref_squeeze %dma_wait3A_62 : memref<1x128xf32, #tpu.memory_space<vmem>> -> memref<128xf32, #tpu.memory_space<vmem>>
      %dma_wait3A_64 = tpu.memref_slice %arg13[%add3A_28] : memref<10240xf32, #tpu.memory_space<vmem_shared>> -> memref<128xf32, #tpu.memory_space<vmem_shared>>
      %dma_wait3A_65 = tpu.memref_slice %arg13[%add3A_28] : memref<10240xf32, #tpu.memory_space<vmem_shared>> -> memref<128xf32, #tpu.memory_space<vmem_shared>>
      %dma_wait3A_66 = arith.constant 0 : i32
      %dma_wait3A_67 = tpu.memref_slice %arg11[%run_scoped3A, %dma_wait3A_66] : memref<64x128xf32, #tpu.memory_space<vmem>> -> memref<1x128xf32, #tpu.memory_space<vmem>>
      %dma_wait3A_68 = tpu.memref_squeeze %dma_wait3A_67 : memref<1x128xf32, #tpu.memory_space<vmem>> -> memref<128xf32, #tpu.memory_space<vmem>>
      tpu.wait_dma2 semaphore(%run_scoped3A_54 : memref<!tpu.dma_semaphore, #tpu.memory_space<semaphore_mem>>) src(%dma_wait3A_68 : memref<128xf32, #tpu.memory_space<vmem>>) dst(%dma_wait3A_65 : memref<128xf32, #tpu.memory_space<vmem_shared>>)
      tpu.yield
    }) : () -> ()
    %add3A_29 = arith.constant 128 : i32
    %add3A_30 = arith.addi %mul3A_2, %add3A_29 : i32
    %run_scoped3A_31 = arith.constant 0 : i32
    "tpu.region"() ({
      %run_scoped3A_54 = tpu.sem_alloc : memref<!tpu.dma_semaphore, #tpu.memory_space<semaphore_mem>>
      %dma_start3A = arith.constant 0 : i32
      %dma_start3A_55 = tpu.memref_slice %arg11[%run_scoped3A_31, %dma_start3A] : memref<64x128xf32, #tpu.memory_space<vmem>> -> memref<1x128xf32, #tpu.memory_space<vmem>>
      %dma_start3A_56 = tpu.memref_squeeze %dma_start3A_55 : memref<1x128xf32, #tpu.memory_space<vmem>> -> memref<128xf32, #tpu.memory_space<vmem>>
      %dma_start3A_57 = tpu.memref_slice %arg13[%add3A_30] : memref<10240xf32, #tpu.memory_space<vmem_shared>> -> memref<128xf32, #tpu.memory_space<vmem_shared>>
      %dma_start3A_58 = tpu.memref_slice %arg13[%add3A_30] : memref<10240xf32, #tpu.memory_space<vmem_shared>> -> memref<128xf32, #tpu.memory_space<vmem_shared>>
      %dma_start3A_59 = arith.constant 0 : i32
      %dma_start3A_60 = tpu.memref_slice %arg11[%run_scoped3A_31, %dma_start3A_59] : memref<64x128xf32, #tpu.memory_space<vmem>> -> memref<1x128xf32, #tpu.memory_space<vmem>>
      %dma_start3A_61 = tpu.memref_squeeze %dma_start3A_60 : memref<1x128xf32, #tpu.memory_space<vmem>> -> memref<128xf32, #tpu.memory_space<vmem>>
      tpu.enqueue_dma source(%dma_start3A_61 : memref<128xf32, #tpu.memory_space<vmem>>) target(%dma_start3A_58 : memref<128xf32, #tpu.memory_space<vmem_shared>>) target_semaphore(%run_scoped3A_54 : memref<!tpu.dma_semaphore, #tpu.memory_space<semaphore_mem>>)
      %dma_wait3A = arith.constant 0 : i32
      %dma_wait3A_62 = tpu.memref_slice %arg11[%run_scoped3A_31, %dma_wait3A] : memref<64x128xf32, #tpu.memory_space<vmem>> -> memref<1x128xf32, #tpu.memory_space<vmem>>
      %dma_wait3A_63 = tpu.memref_squeeze %dma_wait3A_62 : memref<1x128xf32, #tpu.memory_space<vmem>> -> memref<128xf32, #tpu.memory_space<vmem>>
      %dma_wait3A_64 = tpu.memref_slice %arg13[%add3A_30] : memref<10240xf32, #tpu.memory_space<vmem_shared>> -> memref<128xf32, #tpu.memory_space<vmem_shared>>
      %dma_wait3A_65 = tpu.memref_slice %arg13[%add3A_30] : memref<10240xf32, #tpu.memory_space<vmem_shared>> -> memref<128xf32, #tpu.memory_space<vmem_shared>>
      %dma_wait3A_66 = arith.constant 0 : i32
      %dma_wait3A_67 = tpu.memref_slice %arg11[%run_scoped3A_31, %dma_wait3A_66] : memref<64x128xf32, #tpu.memory_space<vmem>> -> memref<1x128xf32, #tpu.memory_space<vmem>>
      %dma_wait3A_68 = tpu.memref_squeeze %dma_wait3A_67 : memref<1x128xf32, #tpu.memory_space<vmem>> -> memref<128xf32, #tpu.memory_space<vmem>>
      tpu.wait_dma2 semaphore(%run_scoped3A_54 : memref<!tpu.dma_semaphore, #tpu.memory_space<semaphore_mem>>) src(%dma_wait3A_68 : memref<128xf32, #tpu.memory_space<vmem>>) dst(%dma_wait3A_65 : memref<128xf32, #tpu.memory_space<vmem_shared>>)
      tpu.yield
    }) : () -> ()
    %add3A_32 = arith.constant 256 : i32
    %add3A_33 = arith.addi %mul3A_2, %add3A_32 : i32
    %run_scoped3A_34 = arith.constant 0 : i32
    "tpu.region"() ({
      %run_scoped3A_54 = tpu.sem_alloc : memref<!tpu.dma_semaphore, #tpu.memory_space<semaphore_mem>>
      %dma_start3A = arith.constant 0 : i32
      %dma_start3A_55 = tpu.memref_slice %arg11[%run_scoped3A_34, %dma_start3A] : memref<64x128xf32, #tpu.memory_space<vmem>> -> memref<1x128xf32, #tpu.memory_space<vmem>>
      %dma_start3A_56 = tpu.memref_squeeze %dma_start3A_55 : memref<1x128xf32, #tpu.memory_space<vmem>> -> memref<128xf32, #tpu.memory_space<vmem>>
      %dma_start3A_57 = tpu.memref_slice %arg13[%add3A_33] : memref<10240xf32, #tpu.memory_space<vmem_shared>> -> memref<128xf32, #tpu.memory_space<vmem_shared>>
      %dma_start3A_58 = tpu.memref_slice %arg13[%add3A_33] : memref<10240xf32, #tpu.memory_space<vmem_shared>> -> memref<128xf32, #tpu.memory_space<vmem_shared>>
      %dma_start3A_59 = arith.constant 0 : i32
      %dma_start3A_60 = tpu.memref_slice %arg11[%run_scoped3A_34, %dma_start3A_59] : memref<64x128xf32, #tpu.memory_space<vmem>> -> memref<1x128xf32, #tpu.memory_space<vmem>>
      %dma_start3A_61 = tpu.memref_squeeze %dma_start3A_60 : memref<1x128xf32, #tpu.memory_space<vmem>> -> memref<128xf32, #tpu.memory_space<vmem>>
      tpu.enqueue_dma source(%dma_start3A_61 : memref<128xf32, #tpu.memory_space<vmem>>) target(%dma_start3A_58 : memref<128xf32, #tpu.memory_space<vmem_shared>>) target_semaphore(%run_scoped3A_54 : memref<!tpu.dma_semaphore, #tpu.memory_space<semaphore_mem>>)
      %dma_wait3A = arith.constant 0 : i32
      %dma_wait3A_62 = tpu.memref_slice %arg11[%run_scoped3A_34, %dma_wait3A] : memref<64x128xf32, #tpu.memory_space<vmem>> -> memref<1x128xf32, #tpu.memory_space<vmem>>
      %dma_wait3A_63 = tpu.memref_squeeze %dma_wait3A_62 : memref<1x128xf32, #tpu.memory_space<vmem>> -> memref<128xf32, #tpu.memory_space<vmem>>
      %dma_wait3A_64 = tpu.memref_slice %arg13[%add3A_33] : memref<10240xf32, #tpu.memory_space<vmem_shared>> -> memref<128xf32, #tpu.memory_space<vmem_shared>>
      %dma_wait3A_65 = tpu.memref_slice %arg13[%add3A_33] : memref<10240xf32, #tpu.memory_space<vmem_shared>> -> memref<128xf32, #tpu.memory_space<vmem_shared>>
      %dma_wait3A_66 = arith.constant 0 : i32
      %dma_wait3A_67 = tpu.memref_slice %arg11[%run_scoped3A_34, %dma_wait3A_66] : memref<64x128xf32, #tpu.memory_space<vmem>> -> memref<1x128xf32, #tpu.memory_space<vmem>>
      %dma_wait3A_68 = tpu.memref_squeeze %dma_wait3A_67 : memref<1x128xf32, #tpu.memory_space<vmem>> -> memref<128xf32, #tpu.memory_space<vmem>>
      tpu.wait_dma2 semaphore(%run_scoped3A_54 : memref<!tpu.dma_semaphore, #tpu.memory_space<semaphore_mem>>) src(%dma_wait3A_68 : memref<128xf32, #tpu.memory_space<vmem>>) dst(%dma_wait3A_65 : memref<128xf32, #tpu.memory_space<vmem_shared>>)
      tpu.yield
    }) : () -> ()
    %add3A_35 = arith.constant 384 : i32
    %add3A_36 = arith.addi %mul3A_2, %add3A_35 : i32
    %run_scoped3A_37 = arith.constant 0 : i32
    "tpu.region"() ({
      %run_scoped3A_54 = tpu.sem_alloc : memref<!tpu.dma_semaphore, #tpu.memory_space<semaphore_mem>>
      %dma_start3A = arith.constant 0 : i32
      %dma_start3A_55 = tpu.memref_slice %arg11[%run_scoped3A_37, %dma_start3A] : memref<64x128xf32, #tpu.memory_space<vmem>> -> memref<1x128xf32, #tpu.memory_space<vmem>>
      %dma_start3A_56 = tpu.memref_squeeze %dma_start3A_55 : memref<1x128xf32, #tpu.memory_space<vmem>> -> memref<128xf32, #tpu.memory_space<vmem>>
      %dma_start3A_57 = tpu.memref_slice %arg13[%add3A_36] : memref<10240xf32, #tpu.memory_space<vmem_shared>> -> memref<128xf32, #tpu.memory_space<vmem_shared>>
      %dma_start3A_58 = tpu.memref_slice %arg13[%add3A_36] : memref<10240xf32, #tpu.memory_space<vmem_shared>> -> memref<128xf32, #tpu.memory_space<vmem_shared>>
      %dma_start3A_59 = arith.constant 0 : i32
      %dma_start3A_60 = tpu.memref_slice %arg11[%run_scoped3A_37, %dma_start3A_59] : memref<64x128xf32, #tpu.memory_space<vmem>> -> memref<1x128xf32, #tpu.memory_space<vmem>>
      %dma_start3A_61 = tpu.memref_squeeze %dma_start3A_60 : memref<1x128xf32, #tpu.memory_space<vmem>> -> memref<128xf32, #tpu.memory_space<vmem>>
      tpu.enqueue_dma source(%dma_start3A_61 : memref<128xf32, #tpu.memory_space<vmem>>) target(%dma_start3A_58 : memref<128xf32, #tpu.memory_space<vmem_shared>>) target_semaphore(%run_scoped3A_54 : memref<!tpu.dma_semaphore, #tpu.memory_space<semaphore_mem>>)
      %dma_wait3A = arith.constant 0 : i32
      %dma_wait3A_62 = tpu.memref_slice %arg11[%run_scoped3A_37, %dma_wait3A] : memref<64x128xf32, #tpu.memory_space<vmem>> -> memref<1x128xf32, #tpu.memory_space<vmem>>
      %dma_wait3A_63 = tpu.memref_squeeze %dma_wait3A_62 : memref<1x128xf32, #tpu.memory_space<vmem>> -> memref<128xf32, #tpu.memory_space<vmem>>
      %dma_wait3A_64 = tpu.memref_slice %arg13[%add3A_36] : memref<10240xf32, #tpu.memory_space<vmem_shared>> -> memref<128xf32, #tpu.memory_space<vmem_shared>>
      %dma_wait3A_65 = tpu.memref_slice %arg13[%add3A_36] : memref<10240xf32, #tpu.memory_space<vmem_shared>> -> memref<128xf32, #tpu.memory_space<vmem_shared>>
      %dma_wait3A_66 = arith.constant 0 : i32
      %dma_wait3A_67 = tpu.memref_slice %arg11[%run_scoped3A_37, %dma_wait3A_66] : memref<64x128xf32, #tpu.memory_space<vmem>> -> memref<1x128xf32, #tpu.memory_space<vmem>>
      %dma_wait3A_68 = tpu.memref_squeeze %dma_wait3A_67 : memref<1x128xf32, #tpu.memory_space<vmem>> -> memref<128xf32, #tpu.memory_space<vmem>>
      tpu.wait_dma2 semaphore(%run_scoped3A_54 : memref<!tpu.dma_semaphore, #tpu.memory_space<semaphore_mem>>) src(%dma_wait3A_68 : memref<128xf32, #tpu.memory_space<vmem>>) dst(%dma_wait3A_65 : memref<128xf32, #tpu.memory_space<vmem_shared>>)
      tpu.yield
    }) : () -> ()
    %add3A_38 = arith.constant 512 : i32
    %add3A_39 = arith.addi %mul3A_2, %add3A_38 : i32
    %run_scoped3A_40 = arith.constant 0 : i32
    "tpu.region"() ({
      %run_scoped3A_54 = tpu.sem_alloc : memref<!tpu.dma_semaphore, #tpu.memory_space<semaphore_mem>>
      %dma_start3A = arith.constant 0 : i32
      %dma_start3A_55 = tpu.memref_slice %arg11[%run_scoped3A_40, %dma_start3A] : memref<64x128xf32, #tpu.memory_space<vmem>> -> memref<1x128xf32, #tpu.memory_space<vmem>>
      %dma_start3A_56 = tpu.memref_squeeze %dma_start3A_55 : memref<1x128xf32, #tpu.memory_space<vmem>> -> memref<128xf32, #tpu.memory_space<vmem>>
      %dma_start3A_57 = tpu.memref_slice %arg13[%add3A_39] : memref<10240xf32, #tpu.memory_space<vmem_shared>> -> memref<128xf32, #tpu.memory_space<vmem_shared>>
      %dma_start3A_58 = tpu.memref_slice %arg13[%add3A_39] : memref<10240xf32, #tpu.memory_space<vmem_shared>> -> memref<128xf32, #tpu.memory_space<vmem_shared>>
      %dma_start3A_59 = arith.constant 0 : i32
      %dma_start3A_60 = tpu.memref_slice %arg11[%run_scoped3A_40, %dma_start3A_59] : memref<64x128xf32, #tpu.memory_space<vmem>> -> memref<1x128xf32, #tpu.memory_space<vmem>>
      %dma_start3A_61 = tpu.memref_squeeze %dma_start3A_60 : memref<1x128xf32, #tpu.memory_space<vmem>> -> memref<128xf32, #tpu.memory_space<vmem>>
      tpu.enqueue_dma source(%dma_start3A_61 : memref<128xf32, #tpu.memory_space<vmem>>) target(%dma_start3A_58 : memref<128xf32, #tpu.memory_space<vmem_shared>>) target_semaphore(%run_scoped3A_54 : memref<!tpu.dma_semaphore, #tpu.memory_space<semaphore_mem>>)
      %dma_wait3A = arith.constant 0 : i32
      %dma_wait3A_62 = tpu.memref_slice %arg11[%run_scoped3A_40, %dma_wait3A] : memref<64x128xf32, #tpu.memory_space<vmem>> -> memref<1x128xf32, #tpu.memory_space<vmem>>
      %dma_wait3A_63 = tpu.memref_squeeze %dma_wait3A_62 : memref<1x128xf32, #tpu.memory_space<vmem>> -> memref<128xf32, #tpu.memory_space<vmem>>
      %dma_wait3A_64 = tpu.memref_slice %arg13[%add3A_39] : memref<10240xf32, #tpu.memory_space<vmem_shared>> -> memref<128xf32, #tpu.memory_space<vmem_shared>>
      %dma_wait3A_65 = tpu.memref_slice %arg13[%add3A_39] : memref<10240xf32, #tpu.memory_space<vmem_shared>> -> memref<128xf32, #tpu.memory_space<vmem_shared>>
      %dma_wait3A_66 = arith.constant 0 : i32
      %dma_wait3A_67 = tpu.memref_slice %arg11[%run_scoped3A_40, %dma_wait3A_66] : memref<64x128xf32, #tpu.memory_space<vmem>> -> memref<1x128xf32, #tpu.memory_space<vmem>>
      %dma_wait3A_68 = tpu.memref_squeeze %dma_wait3A_67 : memref<1x128xf32, #tpu.memory_space<vmem>> -> memref<128xf32, #tpu.memory_space<vmem>>
      tpu.wait_dma2 semaphore(%run_scoped3A_54 : memref<!tpu.dma_semaphore, #tpu.memory_space<semaphore_mem>>) src(%dma_wait3A_68 : memref<128xf32, #tpu.memory_space<vmem>>) dst(%dma_wait3A_65 : memref<128xf32, #tpu.memory_space<vmem_shared>>)
      tpu.yield
    }) : () -> ()
    "tpu.region"() ({
      %run_scoped3A_54 = tpu.sem_alloc : memref<!tpu.dma_semaphore, #tpu.memory_space<semaphore_mem>>
      tpu.enqueue_dma source(%arg4 : memref<125xf32, #tpu.memory_space<hbm>>) target(%arg10 : memref<125xf32, #tpu.memory_space<vmem>>) target_semaphore(%run_scoped3A_54 : memref<!tpu.dma_semaphore, #tpu.memory_space<semaphore_mem>>)
      tpu.wait_dma2 semaphore(%run_scoped3A_54 : memref<!tpu.dma_semaphore, #tpu.memory_space<semaphore_mem>>) src(%arg4 : memref<125xf32, #tpu.memory_space<hbm>>) dst(%arg10 : memref<125xf32, #tpu.memory_space<vmem>>)
      tpu.yield
    }) : () -> ()
    %mul3A_41 = arith.constant 80 : i32
    %mul3A_42 = arith.muli %add3A, %mul3A_41 : i32
    %run_scoped3A_43 = arith.constant 0 : i32
    "tpu.region"() ({
      %run_scoped3A_54 = tpu.sem_alloc : memref<!tpu.dma_semaphore, #tpu.memory_space<semaphore_mem>>
      %dma_start3A = arith.constant 0 : i32
      %dma_start3A_55 = arith.constant 0 : i32
      %dma_start3A_56 = tpu.memref_slice %arg3[%run_scoped3A_43, %dma_start3A, %dma_start3A_55] : memref<2x2560x125xi32, #tpu.memory_space<hbm>> -> memref<1x2560x125xi32, #tpu.memory_space<hbm>>
      %dma_start3A_57 = tpu.memref_squeeze %dma_start3A_56 : memref<1x2560x125xi32, #tpu.memory_space<hbm>> -> memref<2560x125xi32, #tpu.memory_space<hbm>>
      %dma_start3A_58 = arith.constant 0 : i32
      %dma_start3A_59 = tpu.memref_slice %dma_start3A_57[%mul3A_42, %dma_start3A_58] : memref<2560x125xi32, #tpu.memory_space<hbm>> -> memref<80x125xi32, #tpu.memory_space<hbm>>
      %dma_start3A_60 = arith.constant 0 : i32
      %dma_start3A_61 = arith.constant 0 : i32
      %dma_start3A_62 = tpu.memref_slice %arg3[%run_scoped3A_43, %dma_start3A_60, %dma_start3A_61] : memref<2x2560x125xi32, #tpu.memory_space<hbm>> -> memref<1x2560x125xi32, #tpu.memory_space<hbm>>
      %dma_start3A_63 = tpu.memref_squeeze %dma_start3A_62 : memref<1x2560x125xi32, #tpu.memory_space<hbm>> -> memref<2560x125xi32, #tpu.memory_space<hbm>>
      %dma_start3A_64 = arith.constant 0 : i32
      %dma_start3A_65 = tpu.memref_slice %dma_start3A_63[%mul3A_42, %dma_start3A_64] : memref<2560x125xi32, #tpu.memory_space<hbm>> -> memref<80x125xi32, #tpu.memory_space<hbm>>
      tpu.enqueue_dma source(%dma_start3A_65 : memref<80x125xi32, #tpu.memory_space<hbm>>) target(%arg7 : memref<80x125xi32, #tpu.memory_space<vmem>>) target_semaphore(%run_scoped3A_54 : memref<!tpu.dma_semaphore, #tpu.memory_space<semaphore_mem>>)
      %dma_wait3A = arith.constant 0 : i32
      %dma_wait3A_66 = arith.constant 0 : i32
      %dma_wait3A_67 = tpu.memref_slice %arg3[%run_scoped3A_43, %dma_wait3A, %dma_wait3A_66] : memref<2x2560x125xi32, #tpu.memory_space<hbm>> -> memref<1x2560x125xi32, #tpu.memory_space<hbm>>
      %dma_wait3A_68 = tpu.memref_squeeze %dma_wait3A_67 : memref<1x2560x125xi32, #tpu.memory_space<hbm>> -> memref<2560x125xi32, #tpu.memory_space<hbm>>
      %dma_wait3A_69 = arith.constant 0 : i32
      %dma_wait3A_70 = tpu.memref_slice %dma_wait3A_68[%mul3A_42, %dma_wait3A_69] : memref<2560x125xi32, #tpu.memory_space<hbm>> -> memref<80x125xi32, #tpu.memory_space<hbm>>
      %dma_wait3A_71 = arith.constant 0 : i32
      %dma_wait3A_72 = arith.constant 0 : i32
      %dma_wait3A_73 = tpu.memref_slice %arg3[%run_scoped3A_43, %dma_wait3A_71, %dma_wait3A_72] : memref<2x2560x125xi32, #tpu.memory_space<hbm>> -> memref<1x2560x125xi32, #tpu.memory_space<hbm>>
      %dma_wait3A_74 = tpu.memref_squeeze %dma_wait3A_73 : memref<1x2560x125xi32, #tpu.memory_space<hbm>> -> memref<2560x125xi32, #tpu.memory_space<hbm>>
      %dma_wait3A_75 = arith.constant 0 : i32
      %dma_wait3A_76 = tpu.memref_slice %dma_wait3A_74[%mul3A_42, %dma_wait3A_75] : memref<2560x125xi32, #tpu.memory_space<hbm>> -> memref<80x125xi32, #tpu.memory_space<hbm>>
      tpu.wait_dma2 semaphore(%run_scoped3A_54 : memref<!tpu.dma_semaphore, #tpu.memory_space<semaphore_mem>>) src(%dma_wait3A_76 : memref<80x125xi32, #tpu.memory_space<hbm>>) dst(%arg7 : memref<80x125xi32, #tpu.memory_space<vmem>>)
      tpu.yield
    }) : () -> ()
    %mul3A_44 = arith.constant 80 : i32
    %mul3A_45 = arith.muli %add3A, %mul3A_44 : i32
    %run_scoped3A_46 = arith.constant 1 : i32
    "tpu.region"() ({
      %run_scoped3A_54 = tpu.sem_alloc : memref<!tpu.dma_semaphore, #tpu.memory_space<semaphore_mem>>
      %dma_start3A = arith.constant 0 : i32
      %dma_start3A_55 = arith.constant 0 : i32
      %dma_start3A_56 = tpu.memref_slice %arg3[%run_scoped3A_46, %dma_start3A, %dma_start3A_55] : memref<2x2560x125xi32, #tpu.memory_space<hbm>> -> memref<1x2560x125xi32, #tpu.memory_space<hbm>>
      %dma_start3A_57 = tpu.memref_squeeze %dma_start3A_56 : memref<1x2560x125xi32, #tpu.memory_space<hbm>> -> memref<2560x125xi32, #tpu.memory_space<hbm>>
      %dma_start3A_58 = arith.constant 0 : i32
      %dma_start3A_59 = tpu.memref_slice %dma_start3A_57[%mul3A_45, %dma_start3A_58] : memref<2560x125xi32, #tpu.memory_space<hbm>> -> memref<80x125xi32, #tpu.memory_space<hbm>>
      %dma_start3A_60 = arith.constant 0 : i32
      %dma_start3A_61 = arith.constant 0 : i32
      %dma_start3A_62 = tpu.memref_slice %arg3[%run_scoped3A_46, %dma_start3A_60, %dma_start3A_61] : memref<2x2560x125xi32, #tpu.memory_space<hbm>> -> memref<1x2560x125xi32, #tpu.memory_space<hbm>>
      %dma_start3A_63 = tpu.memref_squeeze %dma_start3A_62 : memref<1x2560x125xi32, #tpu.memory_space<hbm>> -> memref<2560x125xi32, #tpu.memory_space<hbm>>
      %dma_start3A_64 = arith.constant 0 : i32
      %dma_start3A_65 = tpu.memref_slice %dma_start3A_63[%mul3A_45, %dma_start3A_64] : memref<2560x125xi32, #tpu.memory_space<hbm>> -> memref<80x125xi32, #tpu.memory_space<hbm>>
      tpu.enqueue_dma source(%dma_start3A_65 : memref<80x125xi32, #tpu.memory_space<hbm>>) target(%arg8 : memref<80x125xi32, #tpu.memory_space<vmem>>) target_semaphore(%run_scoped3A_54 : memref<!tpu.dma_semaphore, #tpu.memory_space<semaphore_mem>>)
      %dma_wait3A = arith.constant 0 : i32
      %dma_wait3A_66 = arith.constant 0 : i32
      %dma_wait3A_67 = tpu.memref_slice %arg3[%run_scoped3A_46, %dma_wait3A, %dma_wait3A_66] : memref<2x2560x125xi32, #tpu.memory_space<hbm>> -> memref<1x2560x125xi32, #tpu.memory_space<hbm>>
      %dma_wait3A_68 = tpu.memref_squeeze %dma_wait3A_67 : memref<1x2560x125xi32, #tpu.memory_space<hbm>> -> memref<2560x125xi32, #tpu.memory_space<hbm>>
      %dma_wait3A_69 = arith.constant 0 : i32
      %dma_wait3A_70 = tpu.memref_slice %dma_wait3A_68[%mul3A_45, %dma_wait3A_69] : memref<2560x125xi32, #tpu.memory_space<hbm>> -> memref<80x125xi32, #tpu.memory_space<hbm>>
      %dma_wait3A_71 = arith.constant 0 : i32
      %dma_wait3A_72 = arith.constant 0 : i32
      %dma_wait3A_73 = tpu.memref_slice %arg3[%run_scoped3A_46, %dma_wait3A_71, %dma_wait3A_72] : memref<2x2560x125xi32, #tpu.memory_space<hbm>> -> memref<1x2560x125xi32, #tpu.memory_space<hbm>>
      %dma_wait3A_74 = tpu.memref_squeeze %dma_wait3A_73 : memref<1x2560x125xi32, #tpu.memory_space<hbm>> -> memref<2560x125xi32, #tpu.memory_space<hbm>>
      %dma_wait3A_75 = arith.constant 0 : i32
      %dma_wait3A_76 = tpu.memref_slice %dma_wait3A_74[%mul3A_45, %dma_wait3A_75] : memref<2560x125xi32, #tpu.memory_space<hbm>> -> memref<80x125xi32, #tpu.memory_space<hbm>>
      tpu.wait_dma2 semaphore(%run_scoped3A_54 : memref<!tpu.dma_semaphore, #tpu.memory_space<semaphore_mem>>) src(%dma_wait3A_76 : memref<80x125xi32, #tpu.memory_space<hbm>>) dst(%arg8 : memref<80x125xi32, #tpu.memory_space<vmem>>)
      tpu.yield
    }) : () -> ()
    %barrier3A = arith.constant 0 : index
    tpu.barrier barrier_id(%barrier3A)
    %scan3A_47 = arith.constant 0 : i32
    %scan3A_48 = arith.constant 0 : i32
    %scan3A_49 = arith.constant 80 : i32
    %scan3A_50 = arith.addi %scan3A_48, %scan3A_49 : i32
    %scan3A_51 = arith.constant 1 : i32
    scf.for %scan3A_54 = %scan3A_48 to %scan3A_50 step %scan3A_51  : i32 {
      %dma_start3A = arith.constant 0 : i32
      %dma_start3A_55 = tpu.memref_slice %arg7[%scan3A_54, %dma_start3A] : memref<80x125xi32, #tpu.memory_space<vmem>> -> memref<1x125xi32, #tpu.memory_space<vmem>>
      %dma_start3A_56 = tpu.memref_squeeze %dma_start3A_55 : memref<1x125xi32, #tpu.memory_space<vmem>> -> memref<125xi32, #tpu.memory_space<vmem>>
      %dma_start3A_57 = arith.constant 0 : i32
      %dma_start3A_58 = arith.constant 0 : i32
      %dma_start3A_59 = tpu.memref_slice %arg2[%dma_start3A_57, %dma_start3A_58] : memref<10000x128xf32, #tpu.memory_space<hbm>> -> memref<10000x128xf32, #tpu.memory_space<hbm>>
      tpu.enqueue_indirect_dma source(%dma_start3A_59 : memref<10000x128xf32, #tpu.memory_space<hbm>>) target(%arg9 : memref<125x128xf32, #tpu.memory_space<vmem>>) offsets(%dma_start3A_56 : memref<125xi32, #tpu.memory_space<vmem>>) semaphore(%arg14 : memref<!tpu.dma_semaphore, #tpu.memory_space<semaphore_mem>>)
      %dma_wait3A = arith.constant 0 : i32
      %dma_wait3A_60 = tpu.memref_slice %arg7[%scan3A_54, %dma_wait3A] : memref<80x125xi32, #tpu.memory_space<vmem>> -> memref<1x125xi32, #tpu.memory_space<vmem>>
      %dma_wait3A_61 = tpu.memref_squeeze %dma_wait3A_60 : memref<1x125xi32, #tpu.memory_space<vmem>> -> memref<125xi32, #tpu.memory_space<vmem>>
      %dma_wait3A_62 = arith.constant 0 : i32
      %dma_wait3A_63 = arith.constant 0 : i32
      %dma_wait3A_64 = tpu.memref_slice %arg2[%dma_wait3A_62, %dma_wait3A_63] : memref<10000x128xf32, #tpu.memory_space<hbm>> -> memref<10000x128xf32, #tpu.memory_space<hbm>>
      tpu.wait_indirect_dma semaphore(%arg14 : memref<!tpu.dma_semaphore, #tpu.memory_space<semaphore_mem>>) src(%dma_wait3A_64 : memref<10000x128xf32, #tpu.memory_space<hbm>>) dst(%arg9 : memref<125x128xf32, #tpu.memory_space<vmem>>)
      "tpu.region"() ({
        %run_scoped3A_65 = tpu.sem_alloc : memref<!tpu.dma_semaphore, #tpu.memory_space<semaphore_mem>>
        %dma_start3A_66 = arith.constant 0 : i32
        %dma_start3A_67 = tpu.memref_slice %arg8[%scan3A_54, %dma_start3A_66] : memref<80x125xi32, #tpu.memory_space<vmem>> -> memref<1x125xi32, #tpu.memory_space<vmem>>
        %dma_start3A_68 = tpu.memref_squeeze %dma_start3A_67 : memref<1x125xi32, #tpu.memory_space<vmem>> -> memref<125xi32, #tpu.memory_space<vmem>>
        %dma_start3A_69 = arith.constant 0 : i32
        %dma_start3A_70 = arith.constant 0 : i32
        %dma_start3A_71 = tpu.memref_slice %arg12[%dma_start3A_69, %dma_start3A_70] : memref<10240x128xf32, #tpu.memory_space<vmem_shared>> -> memref<10240x128xf32, #tpu.memory_space<vmem_shared>>
        tpu.enqueue_indirect_dma source(%arg9 : memref<125x128xf32, #tpu.memory_space<vmem>>) target(%dma_start3A_71 : memref<10240x128xf32, #tpu.memory_space<vmem_shared>>) offsets(%dma_start3A_68 : memref<125xi32, #tpu.memory_space<vmem>>) semaphore(%run_scoped3A_65 : memref<!tpu.dma_semaphore, #tpu.memory_space<semaphore_mem>>) {add = true}
        %dma_wait3A_72 = arith.constant 0 : i32
        %dma_wait3A_73 = tpu.memref_slice %arg8[%scan3A_54, %dma_wait3A_72] : memref<80x125xi32, #tpu.memory_space<vmem>> -> memref<1x125xi32, #tpu.memory_space<vmem>>
        %dma_wait3A_74 = tpu.memref_squeeze %dma_wait3A_73 : memref<1x125xi32, #tpu.memory_space<vmem>> -> memref<125xi32, #tpu.memory_space<vmem>>
        %dma_wait3A_75 = arith.constant 0 : i32
        %dma_wait3A_76 = arith.constant 0 : i32
        %dma_wait3A_77 = tpu.memref_slice %arg12[%dma_wait3A_75, %dma_wait3A_76] : memref<10240x128xf32, #tpu.memory_space<vmem_shared>> -> memref<10240x128xf32, #tpu.memory_space<vmem_shared>>
        tpu.wait_indirect_dma semaphore(%run_scoped3A_65 : memref<!tpu.dma_semaphore, #tpu.memory_space<semaphore_mem>>) src(%arg9 : memref<125x128xf32, #tpu.memory_space<vmem>>) dst(%dma_wait3A_77 : memref<10240x128xf32, #tpu.memory_space<vmem_shared>>)
        tpu.yield
      }) : () -> ()
      "tpu.region"() ({
        %run_scoped3A_65 = tpu.sem_alloc : memref<!tpu.dma_semaphore, #tpu.memory_space<semaphore_mem>>
        %dma_start3A_66 = arith.constant 0 : i32
        %dma_start3A_67 = tpu.memref_slice %arg8[%scan3A_54, %dma_start3A_66] : memref<80x125xi32, #tpu.memory_space<vmem>> -> memref<1x125xi32, #tpu.memory_space<vmem>>
        %dma_start3A_68 = tpu.memref_squeeze %dma_start3A_67 : memref<1x125xi32, #tpu.memory_space<vmem>> -> memref<125xi32, #tpu.memory_space<vmem>>
        %dma_start3A_69 = arith.constant 0 : i32
        %dma_start3A_70 = tpu.memref_slice %arg13[%dma_start3A_69] : memref<10240xf32, #tpu.memory_space<vmem_shared>> -> memref<10240xf32, #tpu.memory_space<vmem_shared>>
        tpu.enqueue_indirect_dma source(%arg10 : memref<125xf32, #tpu.memory_space<vmem>>) target(%dma_start3A_70 : memref<10240xf32, #tpu.memory_space<vmem_shared>>) offsets(%dma_start3A_68 : memref<125xi32, #tpu.memory_space<vmem>>) semaphore(%run_scoped3A_65 : memref<!tpu.dma_semaphore, #tpu.memory_space<semaphore_mem>>) {add = true}
        %dma_wait3A_71 = arith.constant 0 : i32
        %dma_wait3A_72 = tpu.memref_slice %arg8[%scan3A_54, %dma_wait3A_71] : memref<80x125xi32, #tpu.memory_space<vmem>> -> memref<1x125xi32, #tpu.memory_space<vmem>>
        %dma_wait3A_73 = tpu.memref_squeeze %dma_wait3A_72 : memref<1x125xi32, #tpu.memory_space<vmem>> -> memref<125xi32, #tpu.memory_space<vmem>>
        %dma_wait3A_74 = arith.constant 0 : i32
        %dma_wait3A_75 = tpu.memref_slice %arg13[%dma_wait3A_74] : memref<10240xf32, #tpu.memory_space<vmem_shared>> -> memref<10240xf32, #tpu.memory_space<vmem_shared>>
        tpu.wait_indirect_dma semaphore(%run_scoped3A_65 : memref<!tpu.dma_semaphore, #tpu.memory_space<semaphore_mem>>) src(%arg10 : memref<125xf32, #tpu.memory_space<vmem>>) dst(%dma_wait3A_75 : memref<10240xf32, #tpu.memory_space<vmem_shared>>)
        tpu.yield
      }) : () -> ()
    }
    %scan3A_52 = arith.constant 80 : i32
    %barrier3A_53 = arith.constant 0 : index
    tpu.barrier barrier_id(%barrier3A_53)
    "tpu.region"() ({
      %run_scoped3A_54 = tpu.sem_alloc : memref<!tpu.dma_semaphore, #tpu.memory_space<semaphore_mem>>
      %dma_start3A = arith.constant 0 : i32
      %dma_start3A_55 = arith.constant 0 : i32
      %dma_start3A_56 = tpu.memref_slice %arg5[%arg0, %dma_start3A, %dma_start3A_55] : memref<2x10240x128xf32, #tpu.memory_space<hbm>> -> memref<1x10240x128xf32, #tpu.memory_space<hbm>>
      %dma_start3A_57 = tpu.memref_squeeze %dma_start3A_56 : memref<1x10240x128xf32, #tpu.memory_space<hbm>> -> memref<10240x128xf32, #tpu.memory_space<hbm>>
      %dma_start3A_58 = arith.constant 0 : i32
      %dma_start3A_59 = tpu.memref_slice %dma_start3A_57[%mul3A_2, %dma_start3A_58] : memref<10240x128xf32, #tpu.memory_space<hbm>> -> memref<640x128xf32, #tpu.memory_space<hbm>>
      %dma_start3A_60 = arith.constant 0 : i32
      %dma_start3A_61 = tpu.memref_slice %arg12[%mul3A_2, %dma_start3A_60] : memref<10240x128xf32, #tpu.memory_space<vmem_shared>> -> memref<640x128xf32, #tpu.memory_space<vmem_shared>>
      tpu.enqueue_dma source(%dma_start3A_61 : memref<640x128xf32, #tpu.memory_space<vmem_shared>>) target(%dma_start3A_59 : memref<640x128xf32, #tpu.memory_space<hbm>>) target_semaphore(%run_scoped3A_54 : memref<!tpu.dma_semaphore, #tpu.memory_space<semaphore_mem>>)
      %dma_wait3A = arith.constant 0 : i32
      %dma_wait3A_62 = arith.constant 0 : i32
      %dma_wait3A_63 = tpu.memref_slice %arg5[%arg0, %dma_wait3A, %dma_wait3A_62] : memref<2x10240x128xf32, #tpu.memory_space<hbm>> -> memref<1x10240x128xf32, #tpu.memory_space<hbm>>
      %dma_wait3A_64 = tpu.memref_squeeze %dma_wait3A_63 : memref<1x10240x128xf32, #tpu.memory_space<hbm>> -> memref<10240x128xf32, #tpu.memory_space<hbm>>
      %dma_wait3A_65 = arith.constant 0 : i32
      %dma_wait3A_66 = tpu.memref_slice %dma_wait3A_64[%mul3A_2, %dma_wait3A_65] : memref<10240x128xf32, #tpu.memory_space<hbm>> -> memref<640x128xf32, #tpu.memory_space<hbm>>
      %dma_wait3A_67 = arith.constant 0 : i32
      %dma_wait3A_68 = tpu.memref_slice %arg12[%mul3A_2, %dma_wait3A_67] : memref<10240x128xf32, #tpu.memory_space<vmem_shared>> -> memref<640x128xf32, #tpu.memory_space<vmem_shared>>
      tpu.wait_dma2 semaphore(%run_scoped3A_54 : memref<!tpu.dma_semaphore, #tpu.memory_space<semaphore_mem>>) src(%dma_wait3A_68 : memref<640x128xf32, #tpu.memory_space<vmem_shared>>) dst(%dma_wait3A_66 : memref<640x128xf32, #tpu.memory_space<hbm>>)
      tpu.yield
    }) : () -> ()
    "tpu.region"() ({
      %run_scoped3A_54 = tpu.sem_alloc : memref<!tpu.dma_semaphore, #tpu.memory_space<semaphore_mem>>
      %dma_start3A = arith.constant 0 : i32
      %dma_start3A_55 = tpu.memref_slice %arg6[%arg0, %dma_start3A] : memref<2x10240xf32, #tpu.memory_space<hbm>> -> memref<1x10240xf32, #tpu.memory_space<hbm>>
      %dma_start3A_56 = tpu.memref_squeeze %dma_start3A_55 : memref<1x10240xf32, #tpu.memory_space<hbm>> -> memref<10240xf32, #tpu.memory_space<hbm>>
      %dma_start3A_57 = tpu.memref_slice %dma_start3A_56[%mul3A_2] : memref<10240xf32, #tpu.memory_space<hbm>> -> memref<640xf32, #tpu.memory_space<hbm>>
      %dma_start3A_58 = tpu.memref_slice %arg13[%mul3A_2] : memref<10240xf32, #tpu.memory_space<vmem_shared>> -> memref<640xf32, #tpu.memory_space<vmem_shared>>
      tpu.enqueue_dma source(%dma_start3A_58 : memref<640xf32, #tpu.memory_space<vmem_shared>>) target(%dma_start3A_57 : memref<640xf32, #tpu.memory_space<hbm>>) target_semaphore(%run_scoped3A_54 : memref<!tpu.dma_semaphore, #tpu.memory_space<semaphore_mem>>)
      %dma_wait3A = arith.constant 0 : i32
      %dma_wait3A_59 = tpu.memref_slice %arg6[%arg0, %dma_wait3A] : memref<2x10240xf32, #tpu.memory_space<hbm>> -> memref<1x10240xf32, #tpu.memory_space<hbm>>
      %dma_wait3A_60 = tpu.memref_squeeze %dma_wait3A_59 : memref<1x10240xf32, #tpu.memory_space<hbm>> -> memref<10240xf32, #tpu.memory_space<hbm>>
      %dma_wait3A_61 = tpu.memref_slice %dma_wait3A_60[%mul3A_2] : memref<10240xf32, #tpu.memory_space<hbm>> -> memref<640xf32, #tpu.memory_space<hbm>>
      %dma_wait3A_62 = tpu.memref_slice %arg13[%mul3A_2] : memref<10240xf32, #tpu.memory_space<vmem_shared>> -> memref<640xf32, #tpu.memory_space<vmem_shared>>
      tpu.wait_dma2 semaphore(%run_scoped3A_54 : memref<!tpu.dma_semaphore, #tpu.memory_space<semaphore_mem>>) src(%dma_wait3A_62 : memref<640xf32, #tpu.memory_space<vmem_shared>>) dst(%dma_wait3A_61 : memref<640xf32, #tpu.memory_space<hbm>>)
      tpu.yield
    }) : () -> ()
    return
  }
}

#map = affine_map<(d0, d1) -> (0, 0)>
#map1 = affine_map<(d0, d1) -> (0, 0, 0)>
module attributes {stable_mosaic.version = 14 : i64} {
  func.func @sage_sc_agg(%arg0: i32, %arg1: i32, %arg2: memref<10000x128xf32, #tpu.memory_space<hbm>>, %arg3: memref<2x2560x125xi32, #tpu.memory_space<hbm>>, %arg4: memref<2x10240x128xf32, #tpu.memory_space<hbm>>, %arg5: memref<80x125xi32, #tpu.memory_space<vmem>>, %arg6: memref<80x125xi32, #tpu.memory_space<vmem>>, %arg7: memref<125x128xf32, #tpu.memory_space<vmem>>, %arg8: memref<64x128xf32, #tpu.memory_space<vmem>>, %arg9: memref<10240x128xf32, #tpu.memory_space<vmem_shared>>, %arg10: memref<!tpu.dma_semaphore, #tpu.memory_space<semaphore_mem>>) attributes {dimension_semantics = [#tpu.dimension_semantics<core_parallel>, #tpu.dimension_semantics<subcore_parallel>], iteration_bounds = array<i64: 2, 16>, scalar_prefetch = 0 : i64, scratch_operands = 6 : i64, tpu.core_type = #tpu.core_type<sc_vector_subcore>, window_params = [{transform_indices = #map}, {transform_indices = #map1}, {transform_indices = #map1}]} {
    %mul3A = arith.constant 16 : i32
    %mul3A_0 = arith.muli %arg0, %mul3A : i32
    %add3A = arith.addi %mul3A_0, %arg1 : i32
    %mul3A_1 = arith.constant 640 : i32
    %mul3A_2 = arith.muli %arg1, %mul3A_1 : i32
    %scan3A = arith.constant 0 : i32
    %scan3A_3 = arith.constant 64 : i32
    %scan3A_4 = arith.addi %scan3A, %scan3A_3 : i32
    %scan3A_5 = arith.constant 1 : i32
    scf.for %scan3A_39 = %scan3A to %scan3A_4 step %scan3A_5  : i32 {
      %mul3A_40 = arith.constant 1 : i32
      %mul3A_41 = arith.muli %scan3A_39, %mul3A_40 : i32
      %add3A_42 = arith.constant 0 : i32
      %add3A_43 = arith.addi %add3A_42, %mul3A_41 : i32
      %broadcast_in_dim3A = arith.constant 0.000000e+00 : f32
      %broadcast_in_dim3A_44 = vector.broadcast %broadcast_in_dim3A : f32 to vector<16xf32>
      %swap3A = arith.index_cast %add3A_43 : i32 to index
      %swap3A_45 = arith.constant 0 : index
      %swap3A_46 = tpu.vector_load %arg8[%swap3A, %swap3A_45] {strides = array<i32>} : memref<64x128xf32, #tpu.memory_space<vmem>>, vector<1x16xf32>,
      %swap3A_47 = vector.shape_cast %swap3A_46 : vector<1x16xf32> to vector<16xf32>
      %swap3A_48 = vector.shape_cast %broadcast_in_dim3A_44 : vector<16xf32> to vector<1x16xf32>
      tpu.vector_store %arg8[%swap3A, %swap3A_45], %swap3A_48 {strides = array<i32>} : memref<64x128xf32, #tpu.memory_space<vmem>>, vector<1x16xf32>,
      %broadcast_in_dim3A_49 = arith.constant 0.000000e+00 : f32
      %broadcast_in_dim3A_50 = vector.broadcast %broadcast_in_dim3A_49 : f32 to vector<16xf32>
      %swap3A_51 = arith.index_cast %add3A_43 : i32 to index
      %swap3A_52 = arith.constant 16 : index
      %swap3A_53 = tpu.vector_load %arg8[%swap3A_51, %swap3A_52] {strides = array<i32>} : memref<64x128xf32, #tpu.memory_space<vmem>>, vector<1x16xf32>,
      %swap3A_54 = vector.shape_cast %swap3A_53 : vector<1x16xf32> to vector<16xf32>
      %swap3A_55 = vector.shape_cast %broadcast_in_dim3A_50 : vector<16xf32> to vector<1x16xf32>
      tpu.vector_store %arg8[%swap3A_51, %swap3A_52], %swap3A_55 {strides = array<i32>} : memref<64x128xf32, #tpu.memory_space<vmem>>, vector<1x16xf32>,
      %broadcast_in_dim3A_56 = arith.constant 0.000000e+00 : f32
      %broadcast_in_dim3A_57 = vector.broadcast %broadcast_in_dim3A_56 : f32 to vector<16xf32>
      %swap3A_58 = arith.index_cast %add3A_43 : i32 to index
      %swap3A_59 = arith.constant 32 : index
      %swap3A_60 = tpu.vector_load %arg8[%swap3A_58, %swap3A_59] {strides = array<i32>} : memref<64x128xf32, #tpu.memory_space<vmem>>, vector<1x16xf32>,
      %swap3A_61 = vector.shape_cast %swap3A_60 : vector<1x16xf32> to vector<16xf32>
      %swap3A_62 = vector.shape_cast %broadcast_in_dim3A_57 : vector<16xf32> to vector<1x16xf32>
      tpu.vector_store %arg8[%swap3A_58, %swap3A_59], %swap3A_62 {strides = array<i32>} : memref<64x128xf32, #tpu.memory_space<vmem>>, vector<1x16xf32>,
      %broadcast_in_dim3A_63 = arith.constant 0.000000e+00 : f32
      %broadcast_in_dim3A_64 = vector.broadcast %broadcast_in_dim3A_63 : f32 to vector<16xf32>
      %swap3A_65 = arith.index_cast %add3A_43 : i32 to index
      %swap3A_66 = arith.constant 48 : index
      %swap3A_67 = tpu.vector_load %arg8[%swap3A_65, %swap3A_66] {strides = array<i32>} : memref<64x128xf32, #tpu.memory_space<vmem>>, vector<1x16xf32>,
      %swap3A_68 = vector.shape_cast %swap3A_67 : vector<1x16xf32> to vector<16xf32>
      %swap3A_69 = vector.shape_cast %broadcast_in_dim3A_64 : vector<16xf32> to vector<1x16xf32>
      tpu.vector_store %arg8[%swap3A_65, %swap3A_66], %swap3A_69 {strides = array<i32>} : memref<64x128xf32, #tpu.memory_space<vmem>>, vector<1x16xf32>,
      %broadcast_in_dim3A_70 = arith.constant 0.000000e+00 : f32
      %broadcast_in_dim3A_71 = vector.broadcast %broadcast_in_dim3A_70 : f32 to vector<16xf32>
      %swap3A_72 = arith.index_cast %add3A_43 : i32 to index
      %swap3A_73 = arith.constant 64 : index
      %swap3A_74 = tpu.vector_load %arg8[%swap3A_72, %swap3A_73] {strides = array<i32>} : memref<64x128xf32, #tpu.memory_space<vmem>>, vector<1x16xf32>,
      %swap3A_75 = vector.shape_cast %swap3A_74 : vector<1x16xf32> to vector<16xf32>
      %swap3A_76 = vector.shape_cast %broadcast_in_dim3A_71 : vector<16xf32> to vector<1x16xf32>
      tpu.vector_store %arg8[%swap3A_72, %swap3A_73], %swap3A_76 {strides = array<i32>} : memref<64x128xf32, #tpu.memory_space<vmem>>, vector<1x16xf32>,
      %broadcast_in_dim3A_77 = arith.constant 0.000000e+00 : f32
      %broadcast_in_dim3A_78 = vector.broadcast %broadcast_in_dim3A_77 : f32 to vector<16xf32>
      %swap3A_79 = arith.index_cast %add3A_43 : i32 to index
      %swap3A_80 = arith.constant 80 : index
      %swap3A_81 = tpu.vector_load %arg8[%swap3A_79, %swap3A_80] {strides = array<i32>} : memref<64x128xf32, #tpu.memory_space<vmem>>, vector<1x16xf32>,
      %swap3A_82 = vector.shape_cast %swap3A_81 : vector<1x16xf32> to vector<16xf32>
      %swap3A_83 = vector.shape_cast %broadcast_in_dim3A_78 : vector<16xf32> to vector<1x16xf32>
      tpu.vector_store %arg8[%swap3A_79, %swap3A_80], %swap3A_83 {strides = array<i32>} : memref<64x128xf32, #tpu.memory_space<vmem>>, vector<1x16xf32>,
      %broadcast_in_dim3A_84 = arith.constant 0.000000e+00 : f32
      %broadcast_in_dim3A_85 = vector.broadcast %broadcast_in_dim3A_84 : f32 to vector<16xf32>
      %swap3A_86 = arith.index_cast %add3A_43 : i32 to index
      %swap3A_87 = arith.constant 96 : index
      %swap3A_88 = tpu.vector_load %arg8[%swap3A_86, %swap3A_87] {strides = array<i32>} : memref<64x128xf32, #tpu.memory_space<vmem>>, vector<1x16xf32>,
      %swap3A_89 = vector.shape_cast %swap3A_88 : vector<1x16xf32> to vector<16xf32>
      %swap3A_90 = vector.shape_cast %broadcast_in_dim3A_85 : vector<16xf32> to vector<1x16xf32>
      tpu.vector_store %arg8[%swap3A_86, %swap3A_87], %swap3A_90 {strides = array<i32>} : memref<64x128xf32, #tpu.memory_space<vmem>>, vector<1x16xf32>,
      %broadcast_in_dim3A_91 = arith.constant 0.000000e+00 : f32
      %broadcast_in_dim3A_92 = vector.broadcast %broadcast_in_dim3A_91 : f32 to vector<16xf32>
      %swap3A_93 = arith.index_cast %add3A_43 : i32 to index
      %swap3A_94 = arith.constant 112 : index
      %swap3A_95 = tpu.vector_load %arg8[%swap3A_93, %swap3A_94] {strides = array<i32>} : memref<64x128xf32, #tpu.memory_space<vmem>>, vector<1x16xf32>,
      %swap3A_96 = vector.shape_cast %swap3A_95 : vector<1x16xf32> to vector<16xf32>
      %swap3A_97 = vector.shape_cast %broadcast_in_dim3A_92 : vector<16xf32> to vector<1x16xf32>
      tpu.vector_store %arg8[%swap3A_93, %swap3A_94], %swap3A_97 {strides = array<i32>} : memref<64x128xf32, #tpu.memory_space<vmem>>, vector<1x16xf32>,
    }
    %scan3A_6 = arith.constant 64 : i32
    %add3A_7 = arith.constant 0 : i32
    %add3A_8 = arith.addi %mul3A_2, %add3A_7 : i32
    "tpu.region"() ({
      %run_scoped3A_39 = tpu.sem_alloc : memref<!tpu.dma_semaphore, #tpu.memory_space<semaphore_mem>>
      %dma_start3A = arith.constant 0 : i32
      %dma_start3A_40 = tpu.memref_slice %arg9[%add3A_8, %dma_start3A] : memref<10240x128xf32, #tpu.memory_space<vmem_shared>> -> memref<64x128xf32, #tpu.memory_space<vmem_shared>>
      %dma_start3A_41 = arith.constant 0 : i32
      %dma_start3A_42 = tpu.memref_slice %arg9[%add3A_8, %dma_start3A_41] : memref<10240x128xf32, #tpu.memory_space<vmem_shared>> -> memref<64x128xf32, #tpu.memory_space<vmem_shared>>
      tpu.enqueue_dma source(%arg8 : memref<64x128xf32, #tpu.memory_space<vmem>>) target(%dma_start3A_42 : memref<64x128xf32, #tpu.memory_space<vmem_shared>>) target_semaphore(%run_scoped3A_39 : memref<!tpu.dma_semaphore, #tpu.memory_space<semaphore_mem>>)
      %dma_wait3A = arith.constant 0 : i32
      %dma_wait3A_43 = tpu.memref_slice %arg9[%add3A_8, %dma_wait3A] : memref<10240x128xf32, #tpu.memory_space<vmem_shared>> -> memref<64x128xf32, #tpu.memory_space<vmem_shared>>
      %dma_wait3A_44 = arith.constant 0 : i32
      %dma_wait3A_45 = tpu.memref_slice %arg9[%add3A_8, %dma_wait3A_44] : memref<10240x128xf32, #tpu.memory_space<vmem_shared>> -> memref<64x128xf32, #tpu.memory_space<vmem_shared>>
      tpu.wait_dma2 semaphore(%run_scoped3A_39 : memref<!tpu.dma_semaphore, #tpu.memory_space<semaphore_mem>>) src(%arg8 : memref<64x128xf32, #tpu.memory_space<vmem>>) dst(%dma_wait3A_45 : memref<64x128xf32, #tpu.memory_space<vmem_shared>>)
      tpu.yield
    }) : () -> ()
    %add3A_9 = arith.constant 64 : i32
    %add3A_10 = arith.addi %mul3A_2, %add3A_9 : i32
    "tpu.region"() ({
      %run_scoped3A_39 = tpu.sem_alloc : memref<!tpu.dma_semaphore, #tpu.memory_space<semaphore_mem>>
      %dma_start3A = arith.constant 0 : i32
      %dma_start3A_40 = tpu.memref_slice %arg9[%add3A_10, %dma_start3A] : memref<10240x128xf32, #tpu.memory_space<vmem_shared>> -> memref<64x128xf32, #tpu.memory_space<vmem_shared>>
      %dma_start3A_41 = arith.constant 0 : i32
      %dma_start3A_42 = tpu.memref_slice %arg9[%add3A_10, %dma_start3A_41] : memref<10240x128xf32, #tpu.memory_space<vmem_shared>> -> memref<64x128xf32, #tpu.memory_space<vmem_shared>>
      tpu.enqueue_dma source(%arg8 : memref<64x128xf32, #tpu.memory_space<vmem>>) target(%dma_start3A_42 : memref<64x128xf32, #tpu.memory_space<vmem_shared>>) target_semaphore(%run_scoped3A_39 : memref<!tpu.dma_semaphore, #tpu.memory_space<semaphore_mem>>)
      %dma_wait3A = arith.constant 0 : i32
      %dma_wait3A_43 = tpu.memref_slice %arg9[%add3A_10, %dma_wait3A] : memref<10240x128xf32, #tpu.memory_space<vmem_shared>> -> memref<64x128xf32, #tpu.memory_space<vmem_shared>>
      %dma_wait3A_44 = arith.constant 0 : i32
      %dma_wait3A_45 = tpu.memref_slice %arg9[%add3A_10, %dma_wait3A_44] : memref<10240x128xf32, #tpu.memory_space<vmem_shared>> -> memref<64x128xf32, #tpu.memory_space<vmem_shared>>
      tpu.wait_dma2 semaphore(%run_scoped3A_39 : memref<!tpu.dma_semaphore, #tpu.memory_space<semaphore_mem>>) src(%arg8 : memref<64x128xf32, #tpu.memory_space<vmem>>) dst(%dma_wait3A_45 : memref<64x128xf32, #tpu.memory_space<vmem_shared>>)
      tpu.yield
    }) : () -> ()
    %add3A_11 = arith.constant 128 : i32
    %add3A_12 = arith.addi %mul3A_2, %add3A_11 : i32
    "tpu.region"() ({
      %run_scoped3A_39 = tpu.sem_alloc : memref<!tpu.dma_semaphore, #tpu.memory_space<semaphore_mem>>
      %dma_start3A = arith.constant 0 : i32
      %dma_start3A_40 = tpu.memref_slice %arg9[%add3A_12, %dma_start3A] : memref<10240x128xf32, #tpu.memory_space<vmem_shared>> -> memref<64x128xf32, #tpu.memory_space<vmem_shared>>
      %dma_start3A_41 = arith.constant 0 : i32
      %dma_start3A_42 = tpu.memref_slice %arg9[%add3A_12, %dma_start3A_41] : memref<10240x128xf32, #tpu.memory_space<vmem_shared>> -> memref<64x128xf32, #tpu.memory_space<vmem_shared>>
      tpu.enqueue_dma source(%arg8 : memref<64x128xf32, #tpu.memory_space<vmem>>) target(%dma_start3A_42 : memref<64x128xf32, #tpu.memory_space<vmem_shared>>) target_semaphore(%run_scoped3A_39 : memref<!tpu.dma_semaphore, #tpu.memory_space<semaphore_mem>>)
      %dma_wait3A = arith.constant 0 : i32
      %dma_wait3A_43 = tpu.memref_slice %arg9[%add3A_12, %dma_wait3A] : memref<10240x128xf32, #tpu.memory_space<vmem_shared>> -> memref<64x128xf32, #tpu.memory_space<vmem_shared>>
      %dma_wait3A_44 = arith.constant 0 : i32
      %dma_wait3A_45 = tpu.memref_slice %arg9[%add3A_12, %dma_wait3A_44] : memref<10240x128xf32, #tpu.memory_space<vmem_shared>> -> memref<64x128xf32, #tpu.memory_space<vmem_shared>>
      tpu.wait_dma2 semaphore(%run_scoped3A_39 : memref<!tpu.dma_semaphore, #tpu.memory_space<semaphore_mem>>) src(%arg8 : memref<64x128xf32, #tpu.memory_space<vmem>>) dst(%dma_wait3A_45 : memref<64x128xf32, #tpu.memory_space<vmem_shared>>)
      tpu.yield
    }) : () -> ()
    %add3A_13 = arith.constant 192 : i32
    %add3A_14 = arith.addi %mul3A_2, %add3A_13 : i32
    "tpu.region"() ({
      %run_scoped3A_39 = tpu.sem_alloc : memref<!tpu.dma_semaphore, #tpu.memory_space<semaphore_mem>>
      %dma_start3A = arith.constant 0 : i32
      %dma_start3A_40 = tpu.memref_slice %arg9[%add3A_14, %dma_start3A] : memref<10240x128xf32, #tpu.memory_space<vmem_shared>> -> memref<64x128xf32, #tpu.memory_space<vmem_shared>>
      %dma_start3A_41 = arith.constant 0 : i32
      %dma_start3A_42 = tpu.memref_slice %arg9[%add3A_14, %dma_start3A_41] : memref<10240x128xf32, #tpu.memory_space<vmem_shared>> -> memref<64x128xf32, #tpu.memory_space<vmem_shared>>
      tpu.enqueue_dma source(%arg8 : memref<64x128xf32, #tpu.memory_space<vmem>>) target(%dma_start3A_42 : memref<64x128xf32, #tpu.memory_space<vmem_shared>>) target_semaphore(%run_scoped3A_39 : memref<!tpu.dma_semaphore, #tpu.memory_space<semaphore_mem>>)
      %dma_wait3A = arith.constant 0 : i32
      %dma_wait3A_43 = tpu.memref_slice %arg9[%add3A_14, %dma_wait3A] : memref<10240x128xf32, #tpu.memory_space<vmem_shared>> -> memref<64x128xf32, #tpu.memory_space<vmem_shared>>
      %dma_wait3A_44 = arith.constant 0 : i32
      %dma_wait3A_45 = tpu.memref_slice %arg9[%add3A_14, %dma_wait3A_44] : memref<10240x128xf32, #tpu.memory_space<vmem_shared>> -> memref<64x128xf32, #tpu.memory_space<vmem_shared>>
      tpu.wait_dma2 semaphore(%run_scoped3A_39 : memref<!tpu.dma_semaphore, #tpu.memory_space<semaphore_mem>>) src(%arg8 : memref<64x128xf32, #tpu.memory_space<vmem>>) dst(%dma_wait3A_45 : memref<64x128xf32, #tpu.memory_space<vmem_shared>>)
      tpu.yield
    }) : () -> ()
    %add3A_15 = arith.constant 256 : i32
    %add3A_16 = arith.addi %mul3A_2, %add3A_15 : i32
    "tpu.region"() ({
      %run_scoped3A_39 = tpu.sem_alloc : memref<!tpu.dma_semaphore, #tpu.memory_space<semaphore_mem>>
      %dma_start3A = arith.constant 0 : i32
      %dma_start3A_40 = tpu.memref_slice %arg9[%add3A_16, %dma_start3A] : memref<10240x128xf32, #tpu.memory_space<vmem_shared>> -> memref<64x128xf32, #tpu.memory_space<vmem_shared>>
      %dma_start3A_41 = arith.constant 0 : i32
      %dma_start3A_42 = tpu.memref_slice %arg9[%add3A_16, %dma_start3A_41] : memref<10240x128xf32, #tpu.memory_space<vmem_shared>> -> memref<64x128xf32, #tpu.memory_space<vmem_shared>>
      tpu.enqueue_dma source(%arg8 : memref<64x128xf32, #tpu.memory_space<vmem>>) target(%dma_start3A_42 : memref<64x128xf32, #tpu.memory_space<vmem_shared>>) target_semaphore(%run_scoped3A_39 : memref<!tpu.dma_semaphore, #tpu.memory_space<semaphore_mem>>)
      %dma_wait3A = arith.constant 0 : i32
      %dma_wait3A_43 = tpu.memref_slice %arg9[%add3A_16, %dma_wait3A] : memref<10240x128xf32, #tpu.memory_space<vmem_shared>> -> memref<64x128xf32, #tpu.memory_space<vmem_shared>>
      %dma_wait3A_44 = arith.constant 0 : i32
      %dma_wait3A_45 = tpu.memref_slice %arg9[%add3A_16, %dma_wait3A_44] : memref<10240x128xf32, #tpu.memory_space<vmem_shared>> -> memref<64x128xf32, #tpu.memory_space<vmem_shared>>
      tpu.wait_dma2 semaphore(%run_scoped3A_39 : memref<!tpu.dma_semaphore, #tpu.memory_space<semaphore_mem>>) src(%arg8 : memref<64x128xf32, #tpu.memory_space<vmem>>) dst(%dma_wait3A_45 : memref<64x128xf32, #tpu.memory_space<vmem_shared>>)
      tpu.yield
    }) : () -> ()
    %add3A_17 = arith.constant 320 : i32
    %add3A_18 = arith.addi %mul3A_2, %add3A_17 : i32
    "tpu.region"() ({
      %run_scoped3A_39 = tpu.sem_alloc : memref<!tpu.dma_semaphore, #tpu.memory_space<semaphore_mem>>
      %dma_start3A = arith.constant 0 : i32
      %dma_start3A_40 = tpu.memref_slice %arg9[%add3A_18, %dma_start3A] : memref<10240x128xf32, #tpu.memory_space<vmem_shared>> -> memref<64x128xf32, #tpu.memory_space<vmem_shared>>
      %dma_start3A_41 = arith.constant 0 : i32
      %dma_start3A_42 = tpu.memref_slice %arg9[%add3A_18, %dma_start3A_41] : memref<10240x128xf32, #tpu.memory_space<vmem_shared>> -> memref<64x128xf32, #tpu.memory_space<vmem_shared>>
      tpu.enqueue_dma source(%arg8 : memref<64x128xf32, #tpu.memory_space<vmem>>) target(%dma_start3A_42 : memref<64x128xf32, #tpu.memory_space<vmem_shared>>) target_semaphore(%run_scoped3A_39 : memref<!tpu.dma_semaphore, #tpu.memory_space<semaphore_mem>>)
      %dma_wait3A = arith.constant 0 : i32
      %dma_wait3A_43 = tpu.memref_slice %arg9[%add3A_18, %dma_wait3A] : memref<10240x128xf32, #tpu.memory_space<vmem_shared>> -> memref<64x128xf32, #tpu.memory_space<vmem_shared>>
      %dma_wait3A_44 = arith.constant 0 : i32
      %dma_wait3A_45 = tpu.memref_slice %arg9[%add3A_18, %dma_wait3A_44] : memref<10240x128xf32, #tpu.memory_space<vmem_shared>> -> memref<64x128xf32, #tpu.memory_space<vmem_shared>>
      tpu.wait_dma2 semaphore(%run_scoped3A_39 : memref<!tpu.dma_semaphore, #tpu.memory_space<semaphore_mem>>) src(%arg8 : memref<64x128xf32, #tpu.memory_space<vmem>>) dst(%dma_wait3A_45 : memref<64x128xf32, #tpu.memory_space<vmem_shared>>)
      tpu.yield
    }) : () -> ()
    %add3A_19 = arith.constant 384 : i32
    %add3A_20 = arith.addi %mul3A_2, %add3A_19 : i32
    "tpu.region"() ({
      %run_scoped3A_39 = tpu.sem_alloc : memref<!tpu.dma_semaphore, #tpu.memory_space<semaphore_mem>>
      %dma_start3A = arith.constant 0 : i32
      %dma_start3A_40 = tpu.memref_slice %arg9[%add3A_20, %dma_start3A] : memref<10240x128xf32, #tpu.memory_space<vmem_shared>> -> memref<64x128xf32, #tpu.memory_space<vmem_shared>>
      %dma_start3A_41 = arith.constant 0 : i32
      %dma_start3A_42 = tpu.memref_slice %arg9[%add3A_20, %dma_start3A_41] : memref<10240x128xf32, #tpu.memory_space<vmem_shared>> -> memref<64x128xf32, #tpu.memory_space<vmem_shared>>
      tpu.enqueue_dma source(%arg8 : memref<64x128xf32, #tpu.memory_space<vmem>>) target(%dma_start3A_42 : memref<64x128xf32, #tpu.memory_space<vmem_shared>>) target_semaphore(%run_scoped3A_39 : memref<!tpu.dma_semaphore, #tpu.memory_space<semaphore_mem>>)
      %dma_wait3A = arith.constant 0 : i32
      %dma_wait3A_43 = tpu.memref_slice %arg9[%add3A_20, %dma_wait3A] : memref<10240x128xf32, #tpu.memory_space<vmem_shared>> -> memref<64x128xf32, #tpu.memory_space<vmem_shared>>
      %dma_wait3A_44 = arith.constant 0 : i32
      %dma_wait3A_45 = tpu.memref_slice %arg9[%add3A_20, %dma_wait3A_44] : memref<10240x128xf32, #tpu.memory_space<vmem_shared>> -> memref<64x128xf32, #tpu.memory_space<vmem_shared>>
      tpu.wait_dma2 semaphore(%run_scoped3A_39 : memref<!tpu.dma_semaphore, #tpu.memory_space<semaphore_mem>>) src(%arg8 : memref<64x128xf32, #tpu.memory_space<vmem>>) dst(%dma_wait3A_45 : memref<64x128xf32, #tpu.memory_space<vmem_shared>>)
      tpu.yield
    }) : () -> ()
    %add3A_21 = arith.constant 448 : i32
    %add3A_22 = arith.addi %mul3A_2, %add3A_21 : i32
    "tpu.region"() ({
      %run_scoped3A_39 = tpu.sem_alloc : memref<!tpu.dma_semaphore, #tpu.memory_space<semaphore_mem>>
      %dma_start3A = arith.constant 0 : i32
      %dma_start3A_40 = tpu.memref_slice %arg9[%add3A_22, %dma_start3A] : memref<10240x128xf32, #tpu.memory_space<vmem_shared>> -> memref<64x128xf32, #tpu.memory_space<vmem_shared>>
      %dma_start3A_41 = arith.constant 0 : i32
      %dma_start3A_42 = tpu.memref_slice %arg9[%add3A_22, %dma_start3A_41] : memref<10240x128xf32, #tpu.memory_space<vmem_shared>> -> memref<64x128xf32, #tpu.memory_space<vmem_shared>>
      tpu.enqueue_dma source(%arg8 : memref<64x128xf32, #tpu.memory_space<vmem>>) target(%dma_start3A_42 : memref<64x128xf32, #tpu.memory_space<vmem_shared>>) target_semaphore(%run_scoped3A_39 : memref<!tpu.dma_semaphore, #tpu.memory_space<semaphore_mem>>)
      %dma_wait3A = arith.constant 0 : i32
      %dma_wait3A_43 = tpu.memref_slice %arg9[%add3A_22, %dma_wait3A] : memref<10240x128xf32, #tpu.memory_space<vmem_shared>> -> memref<64x128xf32, #tpu.memory_space<vmem_shared>>
      %dma_wait3A_44 = arith.constant 0 : i32
      %dma_wait3A_45 = tpu.memref_slice %arg9[%add3A_22, %dma_wait3A_44] : memref<10240x128xf32, #tpu.memory_space<vmem_shared>> -> memref<64x128xf32, #tpu.memory_space<vmem_shared>>
      tpu.wait_dma2 semaphore(%run_scoped3A_39 : memref<!tpu.dma_semaphore, #tpu.memory_space<semaphore_mem>>) src(%arg8 : memref<64x128xf32, #tpu.memory_space<vmem>>) dst(%dma_wait3A_45 : memref<64x128xf32, #tpu.memory_space<vmem_shared>>)
      tpu.yield
    }) : () -> ()
    %add3A_23 = arith.constant 512 : i32
    %add3A_24 = arith.addi %mul3A_2, %add3A_23 : i32
    "tpu.region"() ({
      %run_scoped3A_39 = tpu.sem_alloc : memref<!tpu.dma_semaphore, #tpu.memory_space<semaphore_mem>>
      %dma_start3A = arith.constant 0 : i32
      %dma_start3A_40 = tpu.memref_slice %arg9[%add3A_24, %dma_start3A] : memref<10240x128xf32, #tpu.memory_space<vmem_shared>> -> memref<64x128xf32, #tpu.memory_space<vmem_shared>>
      %dma_start3A_41 = arith.constant 0 : i32
      %dma_start3A_42 = tpu.memref_slice %arg9[%add3A_24, %dma_start3A_41] : memref<10240x128xf32, #tpu.memory_space<vmem_shared>> -> memref<64x128xf32, #tpu.memory_space<vmem_shared>>
      tpu.enqueue_dma source(%arg8 : memref<64x128xf32, #tpu.memory_space<vmem>>) target(%dma_start3A_42 : memref<64x128xf32, #tpu.memory_space<vmem_shared>>) target_semaphore(%run_scoped3A_39 : memref<!tpu.dma_semaphore, #tpu.memory_space<semaphore_mem>>)
      %dma_wait3A = arith.constant 0 : i32
      %dma_wait3A_43 = tpu.memref_slice %arg9[%add3A_24, %dma_wait3A] : memref<10240x128xf32, #tpu.memory_space<vmem_shared>> -> memref<64x128xf32, #tpu.memory_space<vmem_shared>>
      %dma_wait3A_44 = arith.constant 0 : i32
      %dma_wait3A_45 = tpu.memref_slice %arg9[%add3A_24, %dma_wait3A_44] : memref<10240x128xf32, #tpu.memory_space<vmem_shared>> -> memref<64x128xf32, #tpu.memory_space<vmem_shared>>
      tpu.wait_dma2 semaphore(%run_scoped3A_39 : memref<!tpu.dma_semaphore, #tpu.memory_space<semaphore_mem>>) src(%arg8 : memref<64x128xf32, #tpu.memory_space<vmem>>) dst(%dma_wait3A_45 : memref<64x128xf32, #tpu.memory_space<vmem_shared>>)
      tpu.yield
    }) : () -> ()
    %add3A_25 = arith.constant 576 : i32
    %add3A_26 = arith.addi %mul3A_2, %add3A_25 : i32
    "tpu.region"() ({
      %run_scoped3A_39 = tpu.sem_alloc : memref<!tpu.dma_semaphore, #tpu.memory_space<semaphore_mem>>
      %dma_start3A = arith.constant 0 : i32
      %dma_start3A_40 = tpu.memref_slice %arg9[%add3A_26, %dma_start3A] : memref<10240x128xf32, #tpu.memory_space<vmem_shared>> -> memref<64x128xf32, #tpu.memory_space<vmem_shared>>
      %dma_start3A_41 = arith.constant 0 : i32
      %dma_start3A_42 = tpu.memref_slice %arg9[%add3A_26, %dma_start3A_41] : memref<10240x128xf32, #tpu.memory_space<vmem_shared>> -> memref<64x128xf32, #tpu.memory_space<vmem_shared>>
      tpu.enqueue_dma source(%arg8 : memref<64x128xf32, #tpu.memory_space<vmem>>) target(%dma_start3A_42 : memref<64x128xf32, #tpu.memory_space<vmem_shared>>) target_semaphore(%run_scoped3A_39 : memref<!tpu.dma_semaphore, #tpu.memory_space<semaphore_mem>>)
      %dma_wait3A = arith.constant 0 : i32
      %dma_wait3A_43 = tpu.memref_slice %arg9[%add3A_26, %dma_wait3A] : memref<10240x128xf32, #tpu.memory_space<vmem_shared>> -> memref<64x128xf32, #tpu.memory_space<vmem_shared>>
      %dma_wait3A_44 = arith.constant 0 : i32
      %dma_wait3A_45 = tpu.memref_slice %arg9[%add3A_26, %dma_wait3A_44] : memref<10240x128xf32, #tpu.memory_space<vmem_shared>> -> memref<64x128xf32, #tpu.memory_space<vmem_shared>>
      tpu.wait_dma2 semaphore(%run_scoped3A_39 : memref<!tpu.dma_semaphore, #tpu.memory_space<semaphore_mem>>) src(%arg8 : memref<64x128xf32, #tpu.memory_space<vmem>>) dst(%dma_wait3A_45 : memref<64x128xf32, #tpu.memory_space<vmem_shared>>)
      tpu.yield
    }) : () -> ()
    %mul3A_27 = arith.constant 80 : i32
    %mul3A_28 = arith.muli %add3A, %mul3A_27 : i32
    %run_scoped3A = arith.constant 0 : i32
    "tpu.region"() ({
      %run_scoped3A_39 = tpu.sem_alloc : memref<!tpu.dma_semaphore, #tpu.memory_space<semaphore_mem>>
      %dma_start3A = arith.constant 0 : i32
      %dma_start3A_40 = arith.constant 0 : i32
      %dma_start3A_41 = tpu.memref_slice %arg3[%run_scoped3A, %dma_start3A, %dma_start3A_40] : memref<2x2560x125xi32, #tpu.memory_space<hbm>> -> memref<1x2560x125xi32, #tpu.memory_space<hbm>>
      %dma_start3A_42 = tpu.memref_squeeze %dma_start3A_41 : memref<1x2560x125xi32, #tpu.memory_space<hbm>> -> memref<2560x125xi32, #tpu.memory_space<hbm>>
      %dma_start3A_43 = arith.constant 0 : i32
      %dma_start3A_44 = tpu.memref_slice %dma_start3A_42[%mul3A_28, %dma_start3A_43] : memref<2560x125xi32, #tpu.memory_space<hbm>> -> memref<80x125xi32, #tpu.memory_space<hbm>>
      %dma_start3A_45 = arith.constant 0 : i32
      %dma_start3A_46 = arith.constant 0 : i32
      %dma_start3A_47 = tpu.memref_slice %arg3[%run_scoped3A, %dma_start3A_45, %dma_start3A_46] : memref<2x2560x125xi32, #tpu.memory_space<hbm>> -> memref<1x2560x125xi32, #tpu.memory_space<hbm>>
      %dma_start3A_48 = tpu.memref_squeeze %dma_start3A_47 : memref<1x2560x125xi32, #tpu.memory_space<hbm>> -> memref<2560x125xi32, #tpu.memory_space<hbm>>
      %dma_start3A_49 = arith.constant 0 : i32
      %dma_start3A_50 = tpu.memref_slice %dma_start3A_48[%mul3A_28, %dma_start3A_49] : memref<2560x125xi32, #tpu.memory_space<hbm>> -> memref<80x125xi32, #tpu.memory_space<hbm>>
      tpu.enqueue_dma source(%dma_start3A_50 : memref<80x125xi32, #tpu.memory_space<hbm>>) target(%arg5 : memref<80x125xi32, #tpu.memory_space<vmem>>) target_semaphore(%run_scoped3A_39 : memref<!tpu.dma_semaphore, #tpu.memory_space<semaphore_mem>>)
      %dma_wait3A = arith.constant 0 : i32
      %dma_wait3A_51 = arith.constant 0 : i32
      %dma_wait3A_52 = tpu.memref_slice %arg3[%run_scoped3A, %dma_wait3A, %dma_wait3A_51] : memref<2x2560x125xi32, #tpu.memory_space<hbm>> -> memref<1x2560x125xi32, #tpu.memory_space<hbm>>
      %dma_wait3A_53 = tpu.memref_squeeze %dma_wait3A_52 : memref<1x2560x125xi32, #tpu.memory_space<hbm>> -> memref<2560x125xi32, #tpu.memory_space<hbm>>
      %dma_wait3A_54 = arith.constant 0 : i32
      %dma_wait3A_55 = tpu.memref_slice %dma_wait3A_53[%mul3A_28, %dma_wait3A_54] : memref<2560x125xi32, #tpu.memory_space<hbm>> -> memref<80x125xi32, #tpu.memory_space<hbm>>
      %dma_wait3A_56 = arith.constant 0 : i32
      %dma_wait3A_57 = arith.constant 0 : i32
      %dma_wait3A_58 = tpu.memref_slice %arg3[%run_scoped3A, %dma_wait3A_56, %dma_wait3A_57] : memref<2x2560x125xi32, #tpu.memory_space<hbm>> -> memref<1x2560x125xi32, #tpu.memory_space<hbm>>
      %dma_wait3A_59 = tpu.memref_squeeze %dma_wait3A_58 : memref<1x2560x125xi32, #tpu.memory_space<hbm>> -> memref<2560x125xi32, #tpu.memory_space<hbm>>
      %dma_wait3A_60 = arith.constant 0 : i32
      %dma_wait3A_61 = tpu.memref_slice %dma_wait3A_59[%mul3A_28, %dma_wait3A_60] : memref<2560x125xi32, #tpu.memory_space<hbm>> -> memref<80x125xi32, #tpu.memory_space<hbm>>
      tpu.wait_dma2 semaphore(%run_scoped3A_39 : memref<!tpu.dma_semaphore, #tpu.memory_space<semaphore_mem>>) src(%dma_wait3A_61 : memref<80x125xi32, #tpu.memory_space<hbm>>) dst(%arg5 : memref<80x125xi32, #tpu.memory_space<vmem>>)
      tpu.yield
    }) : () -> ()
    %mul3A_29 = arith.constant 80 : i32
    %mul3A_30 = arith.muli %add3A, %mul3A_29 : i32
    %run_scoped3A_31 = arith.constant 1 : i32
    "tpu.region"() ({
      %run_scoped3A_39 = tpu.sem_alloc : memref<!tpu.dma_semaphore, #tpu.memory_space<semaphore_mem>>
      %dma_start3A = arith.constant 0 : i32
      %dma_start3A_40 = arith.constant 0 : i32
      %dma_start3A_41 = tpu.memref_slice %arg3[%run_scoped3A_31, %dma_start3A, %dma_start3A_40] : memref<2x2560x125xi32, #tpu.memory_space<hbm>> -> memref<1x2560x125xi32, #tpu.memory_space<hbm>>
      %dma_start3A_42 = tpu.memref_squeeze %dma_start3A_41 : memref<1x2560x125xi32, #tpu.memory_space<hbm>> -> memref<2560x125xi32, #tpu.memory_space<hbm>>
      %dma_start3A_43 = arith.constant 0 : i32
      %dma_start3A_44 = tpu.memref_slice %dma_start3A_42[%mul3A_30, %dma_start3A_43] : memref<2560x125xi32, #tpu.memory_space<hbm>> -> memref<80x125xi32, #tpu.memory_space<hbm>>
      %dma_start3A_45 = arith.constant 0 : i32
      %dma_start3A_46 = arith.constant 0 : i32
      %dma_start3A_47 = tpu.memref_slice %arg3[%run_scoped3A_31, %dma_start3A_45, %dma_start3A_46] : memref<2x2560x125xi32, #tpu.memory_space<hbm>> -> memref<1x2560x125xi32, #tpu.memory_space<hbm>>
      %dma_start3A_48 = tpu.memref_squeeze %dma_start3A_47 : memref<1x2560x125xi32, #tpu.memory_space<hbm>> -> memref<2560x125xi32, #tpu.memory_space<hbm>>
      %dma_start3A_49 = arith.constant 0 : i32
      %dma_start3A_50 = tpu.memref_slice %dma_start3A_48[%mul3A_30, %dma_start3A_49] : memref<2560x125xi32, #tpu.memory_space<hbm>> -> memref<80x125xi32, #tpu.memory_space<hbm>>
      tpu.enqueue_dma source(%dma_start3A_50 : memref<80x125xi32, #tpu.memory_space<hbm>>) target(%arg6 : memref<80x125xi32, #tpu.memory_space<vmem>>) target_semaphore(%run_scoped3A_39 : memref<!tpu.dma_semaphore, #tpu.memory_space<semaphore_mem>>)
      %dma_wait3A = arith.constant 0 : i32
      %dma_wait3A_51 = arith.constant 0 : i32
      %dma_wait3A_52 = tpu.memref_slice %arg3[%run_scoped3A_31, %dma_wait3A, %dma_wait3A_51] : memref<2x2560x125xi32, #tpu.memory_space<hbm>> -> memref<1x2560x125xi32, #tpu.memory_space<hbm>>
      %dma_wait3A_53 = tpu.memref_squeeze %dma_wait3A_52 : memref<1x2560x125xi32, #tpu.memory_space<hbm>> -> memref<2560x125xi32, #tpu.memory_space<hbm>>
      %dma_wait3A_54 = arith.constant 0 : i32
      %dma_wait3A_55 = tpu.memref_slice %dma_wait3A_53[%mul3A_30, %dma_wait3A_54] : memref<2560x125xi32, #tpu.memory_space<hbm>> -> memref<80x125xi32, #tpu.memory_space<hbm>>
      %dma_wait3A_56 = arith.constant 0 : i32
      %dma_wait3A_57 = arith.constant 0 : i32
      %dma_wait3A_58 = tpu.memref_slice %arg3[%run_scoped3A_31, %dma_wait3A_56, %dma_wait3A_57] : memref<2x2560x125xi32, #tpu.memory_space<hbm>> -> memref<1x2560x125xi32, #tpu.memory_space<hbm>>
      %dma_wait3A_59 = tpu.memref_squeeze %dma_wait3A_58 : memref<1x2560x125xi32, #tpu.memory_space<hbm>> -> memref<2560x125xi32, #tpu.memory_space<hbm>>
      %dma_wait3A_60 = arith.constant 0 : i32
      %dma_wait3A_61 = tpu.memref_slice %dma_wait3A_59[%mul3A_30, %dma_wait3A_60] : memref<2560x125xi32, #tpu.memory_space<hbm>> -> memref<80x125xi32, #tpu.memory_space<hbm>>
      tpu.wait_dma2 semaphore(%run_scoped3A_39 : memref<!tpu.dma_semaphore, #tpu.memory_space<semaphore_mem>>) src(%dma_wait3A_61 : memref<80x125xi32, #tpu.memory_space<hbm>>) dst(%arg6 : memref<80x125xi32, #tpu.memory_space<vmem>>)
      tpu.yield
    }) : () -> ()
    %barrier3A = arith.constant 0 : index
    tpu.barrier barrier_id(%barrier3A)
    %scan3A_32 = arith.constant 0 : i32
    %scan3A_33 = arith.constant 0 : i32
    %scan3A_34 = arith.constant 80 : i32
    %scan3A_35 = arith.addi %scan3A_33, %scan3A_34 : i32
    %scan3A_36 = arith.constant 1 : i32
    scf.for %scan3A_39 = %scan3A_33 to %scan3A_35 step %scan3A_36  : i32 {
      %dma_start3A = arith.constant 0 : i32
      %dma_start3A_40 = tpu.memref_slice %arg5[%scan3A_39, %dma_start3A] : memref<80x125xi32, #tpu.memory_space<vmem>> -> memref<1x125xi32, #tpu.memory_space<vmem>>
      %dma_start3A_41 = tpu.memref_squeeze %dma_start3A_40 : memref<1x125xi32, #tpu.memory_space<vmem>> -> memref<125xi32, #tpu.memory_space<vmem>>
      %dma_start3A_42 = arith.constant 0 : i32
      %dma_start3A_43 = arith.constant 0 : i32
      %dma_start3A_44 = tpu.memref_slice %arg2[%dma_start3A_42, %dma_start3A_43] : memref<10000x128xf32, #tpu.memory_space<hbm>> -> memref<10000x128xf32, #tpu.memory_space<hbm>>
      tpu.enqueue_indirect_dma source(%dma_start3A_44 : memref<10000x128xf32, #tpu.memory_space<hbm>>) target(%arg7 : memref<125x128xf32, #tpu.memory_space<vmem>>) offsets(%dma_start3A_41 : memref<125xi32, #tpu.memory_space<vmem>>) semaphore(%arg10 : memref<!tpu.dma_semaphore, #tpu.memory_space<semaphore_mem>>)
      %dma_wait3A = arith.constant 0 : i32
      %dma_wait3A_45 = tpu.memref_slice %arg5[%scan3A_39, %dma_wait3A] : memref<80x125xi32, #tpu.memory_space<vmem>> -> memref<1x125xi32, #tpu.memory_space<vmem>>
      %dma_wait3A_46 = tpu.memref_squeeze %dma_wait3A_45 : memref<1x125xi32, #tpu.memory_space<vmem>> -> memref<125xi32, #tpu.memory_space<vmem>>
      %dma_wait3A_47 = arith.constant 0 : i32
      %dma_wait3A_48 = arith.constant 0 : i32
      %dma_wait3A_49 = tpu.memref_slice %arg2[%dma_wait3A_47, %dma_wait3A_48] : memref<10000x128xf32, #tpu.memory_space<hbm>> -> memref<10000x128xf32, #tpu.memory_space<hbm>>
      tpu.wait_indirect_dma semaphore(%arg10 : memref<!tpu.dma_semaphore, #tpu.memory_space<semaphore_mem>>) src(%dma_wait3A_49 : memref<10000x128xf32, #tpu.memory_space<hbm>>) dst(%arg7 : memref<125x128xf32, #tpu.memory_space<vmem>>)
      "tpu.region"() ({
        %run_scoped3A_50 = tpu.sem_alloc : memref<!tpu.dma_semaphore, #tpu.memory_space<semaphore_mem>>
        %dma_start3A_51 = arith.constant 0 : i32
        %dma_start3A_52 = tpu.memref_slice %arg6[%scan3A_39, %dma_start3A_51] : memref<80x125xi32, #tpu.memory_space<vmem>> -> memref<1x125xi32, #tpu.memory_space<vmem>>
        %dma_start3A_53 = tpu.memref_squeeze %dma_start3A_52 : memref<1x125xi32, #tpu.memory_space<vmem>> -> memref<125xi32, #tpu.memory_space<vmem>>
        %dma_start3A_54 = arith.constant 0 : i32
        %dma_start3A_55 = arith.constant 0 : i32
        %dma_start3A_56 = tpu.memref_slice %arg9[%dma_start3A_54, %dma_start3A_55] : memref<10240x128xf32, #tpu.memory_space<vmem_shared>> -> memref<10240x128xf32, #tpu.memory_space<vmem_shared>>
        tpu.enqueue_indirect_dma source(%arg7 : memref<125x128xf32, #tpu.memory_space<vmem>>) target(%dma_start3A_56 : memref<10240x128xf32, #tpu.memory_space<vmem_shared>>) offsets(%dma_start3A_53 : memref<125xi32, #tpu.memory_space<vmem>>) semaphore(%run_scoped3A_50 : memref<!tpu.dma_semaphore, #tpu.memory_space<semaphore_mem>>) {add = true}
        %dma_wait3A_57 = arith.constant 0 : i32
        %dma_wait3A_58 = tpu.memref_slice %arg6[%scan3A_39, %dma_wait3A_57] : memref<80x125xi32, #tpu.memory_space<vmem>> -> memref<1x125xi32, #tpu.memory_space<vmem>>
        %dma_wait3A_59 = tpu.memref_squeeze %dma_wait3A_58 : memref<1x125xi32, #tpu.memory_space<vmem>> -> memref<125xi32, #tpu.memory_space<vmem>>
        %dma_wait3A_60 = arith.constant 0 : i32
        %dma_wait3A_61 = arith.constant 0 : i32
        %dma_wait3A_62 = tpu.memref_slice %arg9[%dma_wait3A_60, %dma_wait3A_61] : memref<10240x128xf32, #tpu.memory_space<vmem_shared>> -> memref<10240x128xf32, #tpu.memory_space<vmem_shared>>
        tpu.wait_indirect_dma semaphore(%run_scoped3A_50 : memref<!tpu.dma_semaphore, #tpu.memory_space<semaphore_mem>>) src(%arg7 : memref<125x128xf32, #tpu.memory_space<vmem>>) dst(%dma_wait3A_62 : memref<10240x128xf32, #tpu.memory_space<vmem_shared>>)
        tpu.yield
      }) : () -> ()
    }
    %scan3A_37 = arith.constant 80 : i32
    %barrier3A_38 = arith.constant 0 : index
    tpu.barrier barrier_id(%barrier3A_38)
    "tpu.region"() ({
      %run_scoped3A_39 = tpu.sem_alloc : memref<!tpu.dma_semaphore, #tpu.memory_space<semaphore_mem>>
      %dma_start3A = arith.constant 0 : i32
      %dma_start3A_40 = arith.constant 0 : i32
      %dma_start3A_41 = tpu.memref_slice %arg4[%arg0, %dma_start3A, %dma_start3A_40] : memref<2x10240x128xf32, #tpu.memory_space<hbm>> -> memref<1x10240x128xf32, #tpu.memory_space<hbm>>
      %dma_start3A_42 = tpu.memref_squeeze %dma_start3A_41 : memref<1x10240x128xf32, #tpu.memory_space<hbm>> -> memref<10240x128xf32, #tpu.memory_space<hbm>>
      %dma_start3A_43 = arith.constant 0 : i32
      %dma_start3A_44 = tpu.memref_slice %dma_start3A_42[%mul3A_2, %dma_start3A_43] : memref<10240x128xf32, #tpu.memory_space<hbm>> -> memref<640x128xf32, #tpu.memory_space<hbm>>
      %dma_start3A_45 = arith.constant 0 : i32
      %dma_start3A_46 = tpu.memref_slice %arg9[%mul3A_2, %dma_start3A_45] : memref<10240x128xf32, #tpu.memory_space<vmem_shared>> -> memref<640x128xf32, #tpu.memory_space<vmem_shared>>
      tpu.enqueue_dma source(%dma_start3A_46 : memref<640x128xf32, #tpu.memory_space<vmem_shared>>) target(%dma_start3A_44 : memref<640x128xf32, #tpu.memory_space<hbm>>) target_semaphore(%run_scoped3A_39 : memref<!tpu.dma_semaphore, #tpu.memory_space<semaphore_mem>>)
      %dma_wait3A = arith.constant 0 : i32
      %dma_wait3A_47 = arith.constant 0 : i32
      %dma_wait3A_48 = tpu.memref_slice %arg4[%arg0, %dma_wait3A, %dma_wait3A_47] : memref<2x10240x128xf32, #tpu.memory_space<hbm>> -> memref<1x10240x128xf32, #tpu.memory_space<hbm>>
      %dma_wait3A_49 = tpu.memref_squeeze %dma_wait3A_48 : memref<1x10240x128xf32, #tpu.memory_space<hbm>> -> memref<10240x128xf32, #tpu.memory_space<hbm>>
      %dma_wait3A_50 = arith.constant 0 : i32
      %dma_wait3A_51 = tpu.memref_slice %dma_wait3A_49[%mul3A_2, %dma_wait3A_50] : memref<10240x128xf32, #tpu.memory_space<hbm>> -> memref<640x128xf32, #tpu.memory_space<hbm>>
      %dma_wait3A_52 = arith.constant 0 : i32
      %dma_wait3A_53 = tpu.memref_slice %arg9[%mul3A_2, %dma_wait3A_52] : memref<10240x128xf32, #tpu.memory_space<vmem_shared>> -> memref<640x128xf32, #tpu.memory_space<vmem_shared>>
      tpu.wait_dma2 semaphore(%run_scoped3A_39 : memref<!tpu.dma_semaphore, #tpu.memory_space<semaphore_mem>>) src(%dma_wait3A_53 : memref<640x128xf32, #tpu.memory_space<vmem_shared>>) dst(%dma_wait3A_51 : memref<640x128xf32, #tpu.memory_space<hbm>>)
      tpu.yield
    }) : () -> ()
    return
  }
}

module attributes {stable_mosaic.version = 14 : i64} {
  func.func @sage_tc_dense_relu(%arg0: i32, %arg1: memref<2x2000x128xf32, #tpu.memory_space<vmem>>, %arg2: memref<2x2000x1xf32, #tpu.memory_space<vmem>>, %arg3: memref<2000x128xf32, #tpu.memory_space<vmem>>, %arg4: memref<128x128xf32, #tpu.memory_space<vmem>>, %arg5: memref<1x128xf32, #tpu.memory_space<vmem>>, %arg6: memref<128x128xf32, #tpu.memory_space<vmem>>, %arg7: memref<2000x128xf32, #tpu.memory_space<vmem>>) attributes {dimension_semantics = [#tpu.dimension_semantics<arbitrary>], iteration_bounds = array<i64: 5>, scalar_prefetch = 0 : i64, scratch_operands = 0 : i64, tpu.core_type = #tpu.core_type<tc>, window_params = [{transform_indices = @transform_0, window_bounds = array<i64: 2, 2000, 128>}, {transform_indices = @transform_1, window_bounds = array<i64: 2, 2000, 1>}, {transform_indices = @transform_2, window_bounds = array<i64: 2000, 128>}, {pipeline_mode = #tpu.pipeline_mode<synchronous>, transform_indices = @transform_3, window_bounds = array<i64: 128, 128>}, {pipeline_mode = #tpu.pipeline_mode<synchronous>, transform_indices = @transform_4, window_bounds = array<i64: 1, 128>}, {pipeline_mode = #tpu.pipeline_mode<synchronous>, transform_indices = @transform_5, window_bounds = array<i64: 128, 128>}, {transform_indices = @transform_6, window_bounds = array<i64: 2000, 128>}]} {
    %get3A = arith.constant 0 : index
    %get3A_0 = arith.constant 0 : index
    %get3A_1 = arith.constant 0 : index
    %get3A_2 = vector.load %arg1[%get3A, %get3A_0, %get3A_1] : memref<2x2000x128xf32, #tpu.memory_space<vmem>>, vector<1x2000x128xf32>
    %get3A_3 = vector.shape_cast %get3A_2 : vector<1x2000x128xf32> to vector<2000x128xf32>
    %get3A_4 = arith.constant 1 : index
    %get3A_5 = arith.constant 0 : index
    %get3A_6 = arith.constant 0 : index
    %get3A_7 = vector.load %arg1[%get3A_4, %get3A_5, %get3A_6] : memref<2x2000x128xf32, #tpu.memory_space<vmem>>, vector<1x2000x128xf32>
    %get3A_8 = vector.shape_cast %get3A_7 : vector<1x2000x128xf32> to vector<2000x128xf32>
    %add3A = arith.addf %get3A_3, %get3A_8 : vector<2000x128xf32>
    %get3A_9 = arith.constant 0 : index
    %get3A_10 = arith.constant 0 : index
    %get3A_11 = arith.constant 0 : index
    %get3A_12 = vector.load %arg2[%get3A_9, %get3A_10, %get3A_11] : memref<2x2000x1xf32, #tpu.memory_space<vmem>>, vector<1x2000x1xf32>
    %get3A_13 = vector.shape_cast %get3A_12 : vector<1x2000x1xf32> to vector<2000x1xf32>
    %get3A_14 = arith.constant 1 : index
    %get3A_15 = arith.constant 0 : index
    %get3A_16 = arith.constant 0 : index
    %get3A_17 = vector.load %arg2[%get3A_14, %get3A_15, %get3A_16] : memref<2x2000x1xf32, #tpu.memory_space<vmem>>, vector<1x2000x1xf32>
    %get3A_18 = vector.shape_cast %get3A_17 : vector<1x2000x1xf32> to vector<2000x1xf32>
    %add3A_19 = arith.addf %get3A_13, %get3A_18 : vector<2000x1xf32>
    %max3A = arith.constant 1.000000e+00 : f32
    %max3A_20 = vector.broadcast %max3A : f32 to vector<2000x1xf32>
    %max3A_21 = arith.maximumf %add3A_19, %max3A_20 : vector<2000x1xf32>
    %div3A = vector.broadcast %max3A_21 : vector<2000x1xf32> to vector<2000x128xf32>
    %div3A_22 = arith.divf %add3A, %div3A : vector<2000x128xf32>
    %get3A_23 = arith.constant 0 : index
    %get3A_24 = arith.constant 0 : index
    %get3A_25 = vector.load %arg4[%get3A_23, %get3A_24] : memref<128x128xf32, #tpu.memory_space<vmem>>, vector<128x128xf32>
    %dot_general3A = arith.constant dense<0.000000e+00> : vector<2000x128xf32>
    %dot_general3A_26 = tpu.matmul %div3A_22, %get3A_25, %dot_general3A {dimension_numbers = #tpu.dot_dimension_numbers<[1], [1], [0], [0], [0, 0, 1, 0], [], []>, transpose_lhs_hint = false} : vector<2000x128xf32>, vector<128x128xf32>, vector<2000x128xf32> -> vector<2000x128xf32>
    %get3A_27 = arith.constant 0 : index
    %get3A_28 = arith.constant 0 : index
    %get3A_29 = vector.load %arg5[%get3A_27, %get3A_28] : memref<1x128xf32, #tpu.memory_space<vmem>>, vector<1x128xf32>
    %add3A_30 = vector.broadcast %get3A_29 : vector<1x128xf32> to vector<2000x128xf32>
    %add3A_31 = arith.addf %dot_general3A_26, %add3A_30 : vector<2000x128xf32>
    %get3A_32 = arith.constant 0 : index
    %get3A_33 = arith.constant 0 : index
    %get3A_34 = vector.load %arg3[%get3A_32, %get3A_33] : memref<2000x128xf32, #tpu.memory_space<vmem>>, vector<2000x128xf32>
    %get3A_35 = arith.constant 0 : index
    %get3A_36 = arith.constant 0 : index
    %get3A_37 = vector.load %arg6[%get3A_35, %get3A_36] : memref<128x128xf32, #tpu.memory_space<vmem>>, vector<128x128xf32>
    %dot_general3A_38 = arith.constant dense<0.000000e+00> : vector<2000x128xf32>
    %dot_general3A_39 = tpu.matmul %get3A_34, %get3A_37, %dot_general3A_38 {dimension_numbers = #tpu.dot_dimension_numbers<[1], [1], [0], [0], [0, 0, 1, 0], [], []>, transpose_lhs_hint = false} : vector<2000x128xf32>, vector<128x128xf32>, vector<2000x128xf32> -> vector<2000x128xf32>
    %add3A_40 = arith.addf %add3A_31, %dot_general3A_39 : vector<2000x128xf32>
    %max3A_41 = arith.constant 0.000000e+00 : f32
    %max3A_42 = vector.broadcast %max3A_41 : f32 to vector<2000x128xf32>
    %max3A_43 = arith.maximumf %add3A_40, %max3A_42 : vector<2000x128xf32>
    %swap3A = arith.constant 0 : index
    %swap3A_44 = arith.constant 0 : index
    %swap3A_45 = vector.load %arg7[%swap3A, %swap3A_44] : memref<2000x128xf32, #tpu.memory_space<vmem>>, vector<2000x128xf32>
    tpu.vector_store %arg7[%swap3A, %swap3A_44], %max3A_43 {strides = array<i32>} : memref<2000x128xf32, #tpu.memory_space<vmem>>, vector<2000x128xf32>,
    return
  }
  func.func @transform_0(%arg0: i32) -> (i32, i32, i32) {
    %c0_i32 = arith.constant 0 : i32
    %c0_i32_0 = arith.constant 0 : i32
    %c0_i32_1 = arith.constant 0 : i32
    return %c0_i32, %arg0, %c0_i32_0 : i32, i32, i32
  }
  func.func @transform_1(%arg0: i32) -> (i32, i32, i32) {
    %c0_i32 = arith.constant 0 : i32
    %c0_i32_0 = arith.constant 0 : i32
    %c0_i32_1 = arith.constant 0 : i32
    return %c0_i32, %arg0, %c0_i32_0 : i32, i32, i32
  }
  func.func @transform_2(%arg0: i32) -> (i32, i32) {
    %c0_i32 = arith.constant 0 : i32
    %c0_i32_0 = arith.constant 0 : i32
    return %arg0, %c0_i32 : i32, i32
  }
  func.func @transform_3(%arg0: i32) -> (i32, i32) {
    %c0_i32 = arith.constant 0 : i32
    %c0_i32_0 = arith.constant 0 : i32
    %c0_i32_1 = arith.constant 0 : i32
    return %c0_i32, %c0_i32_0 : i32, i32
  }
  func.func @transform_4(%arg0: i32) -> (i32, i32) {
    %c0_i32 = arith.constant 0 : i32
    %c0_i32_0 = arith.constant 0 : i32
    %c0_i32_1 = arith.constant 0 : i32
    return %c0_i32, %c0_i32_0 : i32, i32
  }
  func.func @transform_5(%arg0: i32) -> (i32, i32) {
    %c0_i32 = arith.constant 0 : i32
    %c0_i32_0 = arith.constant 0 : i32
    %c0_i32_1 = arith.constant 0 : i32
    return %c0_i32, %c0_i32_0 : i32, i32
  }
  func.func @transform_6(%arg0: i32) -> (i32, i32) {
    %c0_i32 = arith.constant 0 : i32
    %c0_i32_0 = arith.constant 0 : i32
    return %arg0, %c0_i32 : i32, i32
  }
}

module attributes {stable_mosaic.version = 14 : i64} {
  func.func @sage_tc_dense(%arg0: i32, %arg1: memref<2x2000x128xf32, #tpu.memory_space<vmem>>, %arg2: memref<2x2000x1xf32, #tpu.memory_space<vmem>>, %arg3: memref<2000x128xf32, #tpu.memory_space<vmem>>, %arg4: memref<128x128xf32, #tpu.memory_space<vmem>>, %arg5: memref<1x128xf32, #tpu.memory_space<vmem>>, %arg6: memref<128x128xf32, #tpu.memory_space<vmem>>, %arg7: memref<2000x128xf32, #tpu.memory_space<vmem>>) attributes {dimension_semantics = [#tpu.dimension_semantics<arbitrary>], iteration_bounds = array<i64: 5>, scalar_prefetch = 0 : i64, scratch_operands = 0 : i64, tpu.core_type = #tpu.core_type<tc>, window_params = [{transform_indices = @transform_0, window_bounds = array<i64: 2, 2000, 128>}, {transform_indices = @transform_1, window_bounds = array<i64: 2, 2000, 1>}, {transform_indices = @transform_2, window_bounds = array<i64: 2000, 128>}, {pipeline_mode = #tpu.pipeline_mode<synchronous>, transform_indices = @transform_3, window_bounds = array<i64: 128, 128>}, {pipeline_mode = #tpu.pipeline_mode<synchronous>, transform_indices = @transform_4, window_bounds = array<i64: 1, 128>}, {pipeline_mode = #tpu.pipeline_mode<synchronous>, transform_indices = @transform_5, window_bounds = array<i64: 128, 128>}, {transform_indices = @transform_6, window_bounds = array<i64: 2000, 128>}]} {
    %get3A = arith.constant 0 : index
    %get3A_0 = arith.constant 0 : index
    %get3A_1 = arith.constant 0 : index
    %get3A_2 = vector.load %arg1[%get3A, %get3A_0, %get3A_1] : memref<2x2000x128xf32, #tpu.memory_space<vmem>>, vector<1x2000x128xf32>
    %get3A_3 = vector.shape_cast %get3A_2 : vector<1x2000x128xf32> to vector<2000x128xf32>
    %get3A_4 = arith.constant 1 : index
    %get3A_5 = arith.constant 0 : index
    %get3A_6 = arith.constant 0 : index
    %get3A_7 = vector.load %arg1[%get3A_4, %get3A_5, %get3A_6] : memref<2x2000x128xf32, #tpu.memory_space<vmem>>, vector<1x2000x128xf32>
    %get3A_8 = vector.shape_cast %get3A_7 : vector<1x2000x128xf32> to vector<2000x128xf32>
    %add3A = arith.addf %get3A_3, %get3A_8 : vector<2000x128xf32>
    %get3A_9 = arith.constant 0 : index
    %get3A_10 = arith.constant 0 : index
    %get3A_11 = arith.constant 0 : index
    %get3A_12 = vector.load %arg2[%get3A_9, %get3A_10, %get3A_11] : memref<2x2000x1xf32, #tpu.memory_space<vmem>>, vector<1x2000x1xf32>
    %get3A_13 = vector.shape_cast %get3A_12 : vector<1x2000x1xf32> to vector<2000x1xf32>
    %get3A_14 = arith.constant 1 : index
    %get3A_15 = arith.constant 0 : index
    %get3A_16 = arith.constant 0 : index
    %get3A_17 = vector.load %arg2[%get3A_14, %get3A_15, %get3A_16] : memref<2x2000x1xf32, #tpu.memory_space<vmem>>, vector<1x2000x1xf32>
    %get3A_18 = vector.shape_cast %get3A_17 : vector<1x2000x1xf32> to vector<2000x1xf32>
    %add3A_19 = arith.addf %get3A_13, %get3A_18 : vector<2000x1xf32>
    %max3A = arith.constant 1.000000e+00 : f32
    %max3A_20 = vector.broadcast %max3A : f32 to vector<2000x1xf32>
    %max3A_21 = arith.maximumf %add3A_19, %max3A_20 : vector<2000x1xf32>
    %div3A = vector.broadcast %max3A_21 : vector<2000x1xf32> to vector<2000x128xf32>
    %div3A_22 = arith.divf %add3A, %div3A : vector<2000x128xf32>
    %get3A_23 = arith.constant 0 : index
    %get3A_24 = arith.constant 0 : index
    %get3A_25 = vector.load %arg4[%get3A_23, %get3A_24] : memref<128x128xf32, #tpu.memory_space<vmem>>, vector<128x128xf32>
    %dot_general3A = arith.constant dense<0.000000e+00> : vector<2000x128xf32>
    %dot_general3A_26 = tpu.matmul %div3A_22, %get3A_25, %dot_general3A {dimension_numbers = #tpu.dot_dimension_numbers<[1], [1], [0], [0], [0, 0, 1, 0], [], []>, transpose_lhs_hint = false} : vector<2000x128xf32>, vector<128x128xf32>, vector<2000x128xf32> -> vector<2000x128xf32>
    %get3A_27 = arith.constant 0 : index
    %get3A_28 = arith.constant 0 : index
    %get3A_29 = vector.load %arg5[%get3A_27, %get3A_28] : memref<1x128xf32, #tpu.memory_space<vmem>>, vector<1x128xf32>
    %add3A_30 = vector.broadcast %get3A_29 : vector<1x128xf32> to vector<2000x128xf32>
    %add3A_31 = arith.addf %dot_general3A_26, %add3A_30 : vector<2000x128xf32>
    %get3A_32 = arith.constant 0 : index
    %get3A_33 = arith.constant 0 : index
    %get3A_34 = vector.load %arg3[%get3A_32, %get3A_33] : memref<2000x128xf32, #tpu.memory_space<vmem>>, vector<2000x128xf32>
    %get3A_35 = arith.constant 0 : index
    %get3A_36 = arith.constant 0 : index
    %get3A_37 = vector.load %arg6[%get3A_35, %get3A_36] : memref<128x128xf32, #tpu.memory_space<vmem>>, vector<128x128xf32>
    %dot_general3A_38 = arith.constant dense<0.000000e+00> : vector<2000x128xf32>
    %dot_general3A_39 = tpu.matmul %get3A_34, %get3A_37, %dot_general3A_38 {dimension_numbers = #tpu.dot_dimension_numbers<[1], [1], [0], [0], [0, 0, 1, 0], [], []>, transpose_lhs_hint = false} : vector<2000x128xf32>, vector<128x128xf32>, vector<2000x128xf32> -> vector<2000x128xf32>
    %add3A_40 = arith.addf %add3A_31, %dot_general3A_39 : vector<2000x128xf32>
    %swap3A = arith.constant 0 : index
    %swap3A_41 = arith.constant 0 : index
    %swap3A_42 = vector.load %arg7[%swap3A, %swap3A_41] : memref<2000x128xf32, #tpu.memory_space<vmem>>, vector<2000x128xf32>
    tpu.vector_store %arg7[%swap3A, %swap3A_41], %add3A_40 {strides = array<i32>} : memref<2000x128xf32, #tpu.memory_space<vmem>>, vector<2000x128xf32>,
    return
  }
  func.func @transform_0(%arg0: i32) -> (i32, i32, i32) {
    %c0_i32 = arith.constant 0 : i32
    %c0_i32_0 = arith.constant 0 : i32
    %c0_i32_1 = arith.constant 0 : i32
    return %c0_i32, %arg0, %c0_i32_0 : i32, i32, i32
  }
  func.func @transform_1(%arg0: i32) -> (i32, i32, i32) {
    %c0_i32 = arith.constant 0 : i32
    %c0_i32_0 = arith.constant 0 : i32
    %c0_i32_1 = arith.constant 0 : i32
    return %c0_i32, %arg0, %c0_i32_0 : i32, i32, i32
  }
  func.func @transform_2(%arg0: i32) -> (i32, i32) {
    %c0_i32 = arith.constant 0 : i32
    %c0_i32_0 = arith.constant 0 : i32
    return %arg0, %c0_i32 : i32, i32
  }
  func.func @transform_3(%arg0: i32) -> (i32, i32) {
    %c0_i32 = arith.constant 0 : i32
    %c0_i32_0 = arith.constant 0 : i32
    %c0_i32_1 = arith.constant 0 : i32
    return %c0_i32, %c0_i32_0 : i32, i32
  }
  func.func @transform_4(%arg0: i32) -> (i32, i32) {
    %c0_i32 = arith.constant 0 : i32
    %c0_i32_0 = arith.constant 0 : i32
    %c0_i32_1 = arith.constant 0 : i32
    return %c0_i32, %c0_i32_0 : i32, i32
  }
  func.func @transform_5(%arg0: i32) -> (i32, i32) {
    %c0_i32 = arith.constant 0 : i32
    %c0_i32_0 = arith.constant 0 : i32
    %c0_i32_1 = arith.constant 0 : i32
    return %c0_i32, %c0_i32_0 : i32, i32
  }
  func.func @transform_6(%arg0: i32) -> (i32, i32) {
    %c0_i32 = arith.constant 0 : i32
    %c0_i32_0 = arith.constant 0 : i32
    return %arg0, %c0_i32 : i32, i32
  }
}

</mosaic_0001>

<sc_bundles>
// kernel: sage_sc_agg.3.cloned.1.call-start
scs
__scs_entry_jumppad:
0x0: {  	(pc) =	sbr.rel $0x88, $3  }
0x1: {  	(tag) =	ssettag $0x0;
	lr =	simm.s32 $0x1  }
0x2: {  	[smem:$0x3F99] =	sst lr;
	_ =	strace $0xD0000000  }
0x3: {  	_ = 	snop  }
0x4: {  	_ = 	snop  }
0x5: {  	_ = 	snop  }
0x6: {  	_ = 	snop  }
0x7: {  	_ = 	snop  }
__scs_overlays_trampoline_lowered:
0x8: {  	[smem:$0x3FA8] =	sst s0  }
0x9: {  	[smem:$0x3FA9] =	sst s1  }
0xa: {  	[smem:$0x3FAA] =	sst s2  }
0xb: {  	[smem:$0x3FAB] =	sst s3  }
0xc: {  	[smem:$0x3FAC] =	sst s4  }
0xd: {  	[smem:$0x3FAD] =	sst s5  }
0xe: {  	[smem:$0x3FAE] =	sst s6  }
0xf: {  	[smem:$0x3FAF] =	sst s7  }
0x10: {  	[smem:$0x3FB0] =	sst s8  }
0x11: {  	[smem:$0x3FB1] =	sst s9;
	s0 =	simm.s32 @!p0 $0x0  }
0x12: {  	s1 =	sld [smem:$0x3F97];
	s0 =	simm.s32 @p0 $0x1  }
0x13: {  	[smem:$0x3FB2] =	sst s0;
	s0 =	simm.s32 @!p1 $0x0  }
0x14: {  	s2 =	sld [smem:$0x3F96];
	s0 =	simm.s32 @p1 $0x1  }
0x15: {  	[smem:$0x3FB3] =	sst s0;
	s0 =	simm.s32 @!p2 $0x0  }
0x16: {  	s3 =	sld [smem:$0x3FDB];
	s0 =	simm.s32 @p2 $0x1  }
0x17: {  	s4 =	simm.s32 $0x1BF5;
	[smem:$0x3FB5] =	sst s0  }
0x18: {  	s0 =	sld [smem:$0x3F98];
	_ =	swait.ge [sflag:s4], $0x0  }
0x19: {  	s7 =	sld [smem:$0x3F99]  }
0x1a: {  	s8 =	sadd.s32 $0xFFFFE003, lr  }
0x1b: {  	s9 =	sadd.s32 $0xFFFFFEF7, lr;
	s5 =	simm.s32 $0xFFFFFFFF;
	p2 =	slt.u32 s8, $0xFFFFF086  }
0x1c: {  	p1 =	slt.u32 s9, $0xF7A;
	s5 =	simm.s32 @!p2 $0x0  }
0x1d: {  	s5 =	simm.s32 @p1 $0x1;
	p0 =	seq.s32 s7, s2  }
0x1e: {  	s7 =	smul.u32 @!p0 $0xF7A, s2;
	p2 =	seq.s32 @!p0 s5, $0x0  }
0x1f: {  	s9 =	smul.u32 $0xF7A, s1;
	s8 =	simm.s32 @!p0 $0x1BF5;
	p2 =	por !p2, p0  }
0x20: {  	[sflag:s8] =	ssyncset.s32 @!p0 $0xFFFFF086;
	s6 =	sadd.s32 @!p0 s3, s7;
	s7 =	simm.s32 @!p0 $0x108  }
0x21: {  	s3 =	sadd.s32 s3, s9;
	s6 =	sadd.s32 @!p0 $0x88, s6;
	s7 =	simm.s32 @p2 $0x1082  }
0x22: {  	[simem:s7], [sflag:s8] =	dma.local @!p0 [hbm:s6], $0xF7A  }
0x23: {  	s9 =	sor.u32 $0xD0000000, s2;
	s6 =	simm.s32 $0x108;
	_ =	swait.ge @!p0 [sflag:s8], $0x0  }
0x24: {  	s3 =	sadd.s32 $0x88, s3;
	s6 =	simm.s32 @!p1 $0x1082;
	[sflag:s4] =	ssyncset.s32 $0xFFFFF086  }
0x25: {  	[simem:s6], [sflag:s4] =	dma.local [hbm:s3], $0xF7A  }
0x26: {  	[smem:$0x3F99] =	sst s1;
	(tag) =	ssettag s2;
	_ =	strace s9  }
0x27: {  	s1 =	sld [smem:$0x3FA9]  }
0x28: {  	s2 =	sld [smem:$0x3FAA]  }
0x29: {  	s4 =	sld [smem:$0x3FAC]  }
0x2a: {  	p0 =	seq.s32 s5, $0x0;
	s5 =	sld [smem:$0x3FAD]  }
0x2b: {  	s6 =	sld [smem:$0x3FAE]  }
0x2c: {  	s7 =	sld [smem:$0x3FAF]  }
0x2d: {  	s3 =	simm.s32 $0x108;
	s8 =	sld [smem:$0x3FB0]  }
0x2e: {  	s3 =	simm.s32 @!p0 $0x1082;
	s9 =	sld [smem:$0x3FB1]  }
0x2f: {  	lr =	sadd.s32 s0, s3;
	s0 =	sld [smem:$0x3FA8]  }
0x30: {  	s3 =	sld [smem:$0x3FAB]  }
0x31: {  	[smem:$0x3FB4] =	sst s10  }
0x32: {  	s10 =	sld [smem:$0x3FB2];
	_ =	sdelay $0x3  }
0x33: {  	p0 =	seq.s32 s10, $0x1;
	s10 =	sld [smem:$0x3FB4];
	_ =	sdelay $0x3  }
0x34: {  	[smem:$0x3FB4] =	sst s10  }
0x35: {  	s10 =	sld [smem:$0x3FB3];
	_ =	sdelay $0x3  }
0x36: {  	p1 =	seq.s32 s10, $0x1;
	s10 =	sld [smem:$0x3FB4];
	_ =	sdelay $0x3  }
0x37: {  	[smem:$0x3FB4] =	sst s10  }
0x38: {  	s10 =	sld [smem:$0x3FB5]  }
0x39: {  	_ = 	snop;
	(pc) =	sbr.ind lr, $3  }
0x3a: {  	_ = 	snop  }
0x3b: {  	_ = 	snop  }
0x3c: {  	p2 =	seq.s32 s10, $0x1;
	s10 =	sld [smem:$0x3FB4]  }
0x3d: {  	_ =	shalt  }
0x3e: {  	_ =	shalt  }
0x3f: {  	_ =	shalt  }
0x40: {  	_ =	shalt  }
0x41: {  	_ =	shalt  }
0x42: {  	_ =	shalt  }
0x43: {  	_ =	shalt  }
0x44: {  	_ =	shalt  }
0x45: {  	_ =	shalt  }
0x46: {  	_ =	shalt  }
0x47: {  	_ =	shalt  }
0x48: {  	_ =	shalt  }
0x49: {  	_ =	shalt  }
0x4a: {  	_ =	shalt  }
0x4b: {  	_ =	shalt  }
0x4c: {  	_ =	shalt  }
0x4d: {  	_ =	shalt  }
0x4e: {  	_ =	shalt  }
0x4f: {  	_ =	shalt  }
0x50: {  	_ =	shalt  }
0x51: {  	_ =	shalt  }
0x52: {  	_ =	shalt  }
0x53: {  	_ =	shalt  }
0x54: {  	_ =	shalt  }
0x55: {  	_ =	shalt  }
0x56: {  	_ =	shalt  }
0x57: {  	_ =	shalt  }
0x58: {  	_ =	shalt  }
0x59: {  	_ =	shalt  }
0x5a: {  	_ =	shalt  }
0x5b: {  	_ =	shalt  }
0x5c: {  	_ =	shalt  }
0x5d: {  	_ =	shalt  }
0x5e: {  	_ =	shalt  }
0x5f: {  	_ =	shalt  }
0x60: {  	_ =	shalt  }
0x61: {  	_ =	shalt  }
0x62: {  	_ =	shalt  }
0x63: {  	_ =	shalt  }
0x64: {  	_ =	shalt  }
0x65: {  	_ =	shalt  }
0x66: {  	_ =	shalt  }
0x67: {  	_ =	shalt  }
0x68: {  	_ =	shalt  }
0x69: {  	_ =	shalt  }
0x6a: {  	_ =	shalt  }
0x6b: {  	_ =	shalt  }
0x6c: {  	_ =	shalt  }
0x6d: {  	_ =	shalt  }
0x6e: {  	_ =	shalt  }
0x6f: {  	_ =	shalt  }
0x70: {  	_ =	shalt  }
0x71: {  	_ =	shalt  }
0x72: {  	_ =	shalt  }
0x73: {  	_ =	shalt  }
0x74: {  	_ =	shalt  }
0x75: {  	_ =	shalt  }
0x76: {  	_ =	shalt  }
0x77: {  	_ =	shalt  }
0x78: {  	_ =	shalt  }
0x79: {  	_ =	shalt  }
0x7a: {  	_ =	shalt  }
0x7b: {  	_ =	shalt  }
0x7c: {  	_ =	shalt  }
0x7d: {  	_ =	shalt  }
0x7e: {  	_ =	shalt  }
0x7f: {  	_ =	shalt  }
0x80: {  	_ =	shalt  }
0x81: {  	_ =	shalt  }
0x82: {  	_ =	shalt  }
0x83: {  	_ =	shalt  }
0x84: {  	_ =	shalt  }
0x85: {  	_ =	shalt  }
0x86: {  	_ =	shalt  }
0x87: {  	_ =	shalt  }
.Lfunc_end0:
.L_simem_size_0:
called_computation.1_lowered:
.L_overlay_start_0:
0x88: {  	s2 =	sld [smem:$0x3FD9]  }
0x89: {  	s3 =	sld [smem:$0x3FFE];
	_ =	sdelay $0x1  }
0x8a: {  	s1 =	srdreg.scid  }
0x8b: {  	s0 =	sand.u32 $0x1, s1  }
0x8c: {  	s17 =	sshll.u32 s0, $0xA;
	s2 =	sadd.s32 s3, s2  }
0x8d: {  	s2 =	sadd.s32 s2, s17  }
0x8e: {  	[smem:$0x3FC0] =	sst s2  }
0x8f: {  	_ = 	snop  }
0x90: {  	s2 =	sld [smem:$0x3FD0];
	(tm) =	ssettm $0x1  }
0x91: {  	s18 =	sld [smem:$0x3FFB];
	_ =	sdelay $0x3  }
0x92: {  	_ =	strace s18  }
0x93: {  	s3 =	sld [smem:$0x3FFC];
	_ =	sdelay $0x3  }
0x94: {  	_ =	strace s3  }
0x95: {  	s3 =	sld [smem:$0x3FFD];
	_ =	sdelay $0x3  }
0x96: {  	_ =	strace s3  }
0x97: {  	_ =	strace $0x8FFFFFFF  }
0x98: {  	s19 =	sld [smem:$0x3FDB];
	_ =	sdelay $0x1  }
0x99: {  	s4 =	simm.s32 $_scs_section_size  }
0x9a: {  	s5 =	simm.s32 $_size__tile_overlayer_lowered;
	s6 =	simm.s32 $_tile_overlayer_lowered  }
0x9b: {  	s22 =	simm.s32 $0x1BFF;
	s21 =	sshll.u32 s6, $0x1;
	s3 =	sadd.s32 s4, s19  }
0x9c: {  	s7 =	simm.s32 $0x0;
	s20 =	sshll.u32 s5, $0x1;
	s5 =	sadd.s32 s21, s3  }
0x9d: {  	[timem:s7], [sflag:s22] =	dma.local [hbm:s5], s20  }
0x9e: {  	_ =	swait.ge [sflag:s22], s20  }
0x9f: {  	s4 =	ssub.s32 $0x0, s20;
	[sflag:s22] =	ssyncset.done $0x0  }
0xa0: {  	[sflag:s22] =	ssyncadd.s32 s4;
	_ =	sdelay $0x1  }
0xa1: {  	s23 =	simm.s32 $0x1B8B  }
0xa2: {  	_ =	swait.ge [sflag:s23], $0x1  }
0xa3: {  	[sflag:s23] =	ssyncset.done $0x0  }
0xa4: {  	s25 =	simm.s32 $0x1B8E;
	s24 =	sld [smem:$0x3FFE];
	[sflag:s23] =	ssyncadd.s32 $0xFFFFFFFF  }
0xa5: {  	s26 =	simm.s32 $execute0_lowered;
	[smem:$0x3FD2] =	sst s25  }
0xa6: {  	s5 =	sshll.u32 s26, $0x1;
	_ =	strace $0x80000049;
	[dreg:$0x1] =	wrdreg $0xFFFFFFFF  }
0xa7: {  	s28 =	simm.s32 $_size_execute0_lowered;
	s3 =	sadd.s32 s3, s5;
	[dreg:$0x0] =	wrdreg $0x0  }
0xa8: {  	s5 =	sshll.u32 s28, $0x1;
	[dreg:$0x2] =	wrdreg s3  }
0xa9: {  	[dreg:$0x3] =	wrdreg s5  }
0xaa: {  	[dreg:$0x4] =	wrdreg $0xC0  }
0xab: {  	_ =	task [dreg:s7], $0x5FFFF  }
0xac: {  	[dreg:$0x1] =	wrdreg $0xFFFFFFFF  }
0xad: {  	[dreg:$0x0] =	wrdreg $0x60  }
0xae: {  	[dreg:$0x2] =	wrdreg s2  }
0xaf: {  	[dreg:$0x3] =	wrdreg s24  }
0xb0: {  	[dreg:$0x4] =	wrdreg $0xB0000  }
0xb1: {  	[dreg:$0x5] =	wrdreg $0x9  }
0xb2: {  	_ =	task.clear_ibuf [dreg:s7], $0x6FFFF;
	_ =	strace $0x90000049  }
0xb3: {  	s29 =	simm.s32 $0x9;
	_ =	strace $0x8000004B  }
0xb4: {  	_ =	swait.ge [sflag:s29], $0x1  }
0xb5: {  	[sflag:s29] =	ssyncadd.s32 $0xFFFFFFFF  }
0xb6: {  	_ =	strace $0x9000004B  }
0xb7: {  	_ =	sfence  }
0xb8: {  	s30 =	sld [smem:$0x0];
	_ =	sdelay $0x2  }
0xb9: {  	s31 =	sshll.u32 s1, $0xD;
	s1 =	sshrl.u32 s1, $0x2  }
0xba: {  	s3 =	sand.u32 $0x4000, s31;
	s1 =	sadd.s32 s1, s30  }
0xbb: {  	s0 =	sor.u32 s3, s0;
	s1 =	sshll.u32 s1, $0x11  }
0xbc: {  	s0 =	sor.u32 s1, s0  }
0xbd: {  	s0 =	sadd.s32 $0x8F2B, s0  }
0xbe: {  	[sflag:s0] =	ssyncadd.remote.s32 $0x1  }
0xbf: {  	_ =	sfence.sel $0xFFFF  }
0xc0: {  	[dreg:$0x0] =	wrdreg $0xFFFFFFFF;
	(pc) =	sbr.abs _section_cstart, $3  }
0xc1: {  	[dreg:$0x1] =	wrdreg $0xFFFFFFFF  }
0xc2: {  	_ =	task.clear_ibuf [dreg:s7], $0x2FFFF;
	_ =	strace $0x9FFFFFFF  }
0xc3: {  	(tm) =	ssettm $0x7FFFFFFF  }
tec
execute0_lowered:
.L_overlay_start_1:
0x0: {  	(tag) =	ssettag $0x1  }
0x1: {  	s1 =	rddreg [dreg:$0x0]  }
0x2: {  	s16 =	rddreg [dreg:$0x1]  }
0x3: {  	s2 =	rddreg [dreg:$0x2]  }
0x4: {  	s3 =	srdreg.scid;
	s0 =	rddreg [dreg:$0x3]  }
0x5: {  	s4 =	simm.s32 $0x0;
	s21 =	simm.s32 $0x7D;
	s22 =	simm.s32 $0x5000  }
0x6: {  	s23 =	simm.s32 $0x1;
	s5 =	sand.u32 $0x1, s3;
	s3 =	stileid.u32  }
0x7: {  	[smem:$0x7FF] =	sst s4;
	s20 =	sadd.s32 $0xC800, s16;
	s7 =	smul.u32 $0x50000, s3  }
0x8: {  	s6 =	sshll.u32 s5, $0x4;
	_ =	strace $0x8000004A;
	s29 =	smul.u32 $0x28000, s5  }
0x9: {  	s8 =	ssub.s32 $0x2, s5;
	s25 =	smul.u32 $0x2800, s3;
	s6 =	sor.u32 s3, s6  }
0xa: {  	s31 =	sshrl.u32 s8, $0x1;
	s19 =	smul.u32 $0x500, s6;
	s30 =	sshrl.u32 s7, $0x2  }
0xb: {  	s17 =	sadd.s32 s29, s16;
	s18 =	ssub.s32 s8, s31;
	s5 =	sadd.s32 s30, s2  }
0xc: {  	s24 =	sadd.s32 $0x16800, s17;
	s17 =	simm.s32 $0x9000;
	s15 =	sadd.s32 s19, s16  }
0xd: {  	s6 =	sadd.s32 $0x2000, s5;
	s7 =	sadd.s32 $0x4000, s5;
	s8 =	sadd.s32 $0x6000, s5  }
0xe: {  	s9 =	sadd.s32 $0x8000, s5;
	s10 =	sadd.s32 $0xA000, s5;
	s11 =	sadd.s32 $0xC000, s5  }
0xf: {  	s12 =	sadd.s32 $0xE000, s5;
	s13 =	sadd.s32 $0x10000, s5;
	s14 =	sadd.s32 $0x12000, s5  }
0x10: {  	s16 =	smax.u32 s18, $0x1;
	s18 =	simm.s32 $0x2;
	s19 =	sadd.s32 s19, s20  }
0x11: {  	v0 =	vimm.f32 $0.0e+00;
	s20 =	simm.s32 $0x2800;
	s24 =	sadd.s32 s25, s24;
	s15 =	sadd.s32 $0x2800, s15  }
.LBB2_1:
0x12: {  	s25 =	simm.s32 $0x0;
	s26 =	simm.s32 $0x200  }
.LBB2_2:
0x13: {  	p0 =	sne.s32 s26, $0x7E00;
	[tilespmem:s25+$0x9070] =	vst v0  }
0x14: {  	[tilespmem:s25+$0x9000] =	vst v0  }
0x15: {  	[tilespmem:s25+$0x9010] =	vst v0  }
.Ltmp0:
0x16: {  	[tilespmem:s25+$0x9020] =	vst v0;
	(pc) =	sbr.rel @p0 .LBB2_2-.Ltmp0, $4  }
0x17: {  	[tilespmem:s25+$0x9030] =	vst v0  }
0x18: {  	[tilespmem:s25+$0x9040] =	vst v0  }
0x19: {  	[tilespmem:s25+$0x9050] =	vst v0  }
0x1a: {  	[tilespmem:s25+$0x9060] =	vst v0;
	s25 =	sshra.s32 s26, $0x2;
	s26 =	sadd.s32 $0x200, s26  }
0x1b: {  	[tilespmem:s25+$0x9070] =	vst v0  }
0x1c: {  	[tilespmem:s25+$0x9000] =	vst v0  }
0x1d: {  	[tilespmem:s25+$0x9010] =	vst v0  }
0x1e: {  	[tilespmem:s25+$0x9020] =	vst v0  }
0x1f: {  	[tilespmem:s25+$0x9030] =	vst v0  }
0x20: {  	[tilespmem:s25+$0x9040] =	vst v0  }
0x21: {  	[tilespmem:s25+$0x9050] =	vst v0  }
0x22: {  	[tilespmem:s25+$0x9060] =	vst v0  }
0x23: {  	[spmem:s5] =	stream.linear.scatter [tilespmem:s17], [sflag:$0x2], $0x2000, $0x38;
	[tilespmem:$0x1F000] =	vst v63  }
0x24: {  	_ =	swait.ge [sflag:s18], $0x2000  }
0x25: {  	[sflag:s18] =	ssyncset.done $0x0  }
0x26: {  	[sflag:s18] =	ssyncadd.s32 $0xFFFFE000  }
0x27: {  	[spmem:s6] =	stream.linear.scatter [tilespmem:s17], [sflag:$0x2], $0x2000, $0x38;
	[tilespmem:$0x1F000] =	vst v63  }
0x28: {  	_ =	swait.ge [sflag:s18], $0x2000  }
0x29: {  	[sflag:s18] =	ssyncset.done $0x0  }
0x2a: {  	[sflag:s18] =	ssyncadd.s32 $0xFFFFE000  }
0x2b: {  	[spmem:s7] =	stream.linear.scatter [tilespmem:s17], [sflag:$0x2], $0x2000, $0x38;
	[tilespmem:$0x1F000] =	vst v63  }
0x2c: {  	_ =	swait.ge [sflag:s18], $0x2000  }
0x2d: {  	[sflag:s18] =	ssyncset.done $0x0  }
0x2e: {  	[sflag:s18] =	ssyncadd.s32 $0xFFFFE000  }
0x2f: {  	[spmem:s8] =	stream.linear.scatter [tilespmem:s17], [sflag:$0x2], $0x2000, $0x38;
	[tilespmem:$0x1F000] =	vst v63  }
0x30: {  	_ =	swait.ge [sflag:s18], $0x2000  }
0x31: {  	[sflag:s18] =	ssyncset.done $0x0  }
0x32: {  	[sflag:s18] =	ssyncadd.s32 $0xFFFFE000  }
0x33: {  	[spmem:s9] =	stream.linear.scatter [tilespmem:s17], [sflag:$0x2], $0x2000, $0x38;
	[tilespmem:$0x1F000] =	vst v63  }
0x34: {  	_ =	swait.ge [sflag:s18], $0x2000  }
0x35: {  	[sflag:s18] =	ssyncset.done $0x0  }
0x36: {  	[sflag:s18] =	ssyncadd.s32 $0xFFFFE000  }
0x37: {  	[spmem:s10] =	stream.linear.scatter [tilespmem:s17], [sflag:$0x2], $0x2000, $0x38;
	[tilespmem:$0x1F000] =	vst v63  }
0x38: {  	_ =	swait.ge [sflag:s18], $0x2000  }
0x39: {  	[sflag:s18] =	ssyncset.done $0x0  }
0x3a: {  	[sflag:s18] =	ssyncadd.s32 $0xFFFFE000  }
0x3b: {  	[spmem:s11] =	stream.linear.scatter [tilespmem:s17], [sflag:$0x2], $0x2000, $0x38;
	[tilespmem:$0x1F000] =	vst v63  }
0x3c: {  	_ =	swait.ge [sflag:s18], $0x2000  }
0x3d: {  	[sflag:s18] =	ssyncset.done $0x0  }
0x3e: {  	[sflag:s18] =	ssyncadd.s32 $0xFFFFE000  }
0x3f: {  	[spmem:s12] =	stream.linear.scatter [tilespmem:s17], [sflag:$0x2], $0x2000, $0x38;
	[tilespmem:$0x1F000] =	vst v63  }
0x40: {  	_ =	swait.ge [sflag:s18], $0x2000  }
0x41: {  	[sflag:s18] =	ssyncset.done $0x0  }
0x42: {  	[sflag:s18] =	ssyncadd.s32 $0xFFFFE000  }
0x43: {  	[spmem:s13] =	stream.linear.scatter [tilespmem:s17], [sflag:$0x2], $0x2000, $0x38;
	[tilespmem:$0x1F000] =	vst v63  }
0x44: {  	_ =	swait.ge [sflag:s18], $0x2000  }
0x45: {  	[sflag:s18] =	ssyncset.done $0x0  }
0x46: {  	[sflag:s18] =	ssyncadd.s32 $0xFFFFE000  }
0x47: {  	[spmem:s14] =	stream.linear.scatter [tilespmem:s17], [sflag:$0x2], $0x2000, $0x38;
	[tilespmem:$0x1F000] =	vst v63  }
0x48: {  	_ =	swait.ge [sflag:s18], $0x2000  }
0x49: {  	[sflag:s18] =	ssyncset.done $0x0  }
0x4a: {  	s29 =	simm.s32 $0x0;
	[sflag:s18] =	ssyncadd.s32 $0xFFFFE000  }
0x4b: {  	[tilespmem:s29], [sflag:$0x2] =	stream.linear.gather [hbm4b:s15+s29], $0x2800, $0x38;
	[tilespmem:$0x1F000] =	vst v63  }
0x4c: {  	_ =	swait.ge [sflag:s18], $0x2800  }
0x4d: {  	[sflag:s18] =	ssyncset.done $0x0  }
0x4e: {  	[sflag:s18] =	ssyncadd.s32 $0xFFFFD800  }
0x4f: {  	[tilespmem:s20], [sflag:$0x2] =	stream.linear.gather [hbm4b:s19+s29], $0x2800, $0x38;
	[tilespmem:$0x1F000] =	vst v63  }
0x50: {  	_ =	swait.ge [sflag:s18], $0x2800  }
0x51: {  	[sflag:s18] =	ssyncset.done $0x0  }
0x52: {  	[sflag:s18] =	ssyncadd.s32 $0xFFFFD800  }
0x53: {  	s30 =	simm.s32 $0x0;
	[bflag:$0x0] =	sbarrier.arrive $0xFFFF  }
0x54: {  	[tilespmem:s22], [sflag:$0x1] =	stream.indirect.gather [hbm4b:s1+s21], $0x80, s30, s21, $0xb8;
	[tilespmem:$0x1F000] =	vst v63  }
0x55: {  	_ =	swait.ge [sflag:s23], $0x3E80  }
0x56: {  	[sflag:s23] =	ssyncset.done $0x0  }
0x57: {  	s31 =	simm.s32 $0x2800;
	[sflag:s23] =	ssyncadd.s32 $0xFFFFC180  }
0x58: {  	[spmem:s2] =	stream.indirect.scatter.add.f32 [tilespmem:s22], [sflag:$0x2], $0x80, s31, s21, $0xb8;
	[tilespmem:$0x1F000] =	vst v63  }
0x59: {  	_ =	swait.ge [sflag:s18], $0x3E80  }
0x5a: {  	s25 =	simm.s32 $0x200;
	s26 =	simm.s32 $0x400;
	[sflag:s18] =	ssyncset.done $0x0  }
.LBB2_4:
0x5b: {  	s28 =	sshra.s32 s25, $0x2  }
0x5c: {  	[sflag:s18] =	ssyncadd.s32 $0xFFFFC180;
	s25 =	smov.u32 s26;
	s29 =	sadd.s32 $0x200, s26  }
0x5d: {  	[tilespmem:s22], [sflag:$0x1] =	stream.indirect.gather [hbm4b:s1+s21], $0x80, s28, s21, $0xb8;
	[tilespmem:$0x1F000] =	vst v63  }
0x5e: {  	p0 =	sne.s32 s26, $0x9E00;
	_ =	swait.ge [sflag:s23], $0x3E80  }
.Ltmp1:
0x5f: {  	[sflag:s23] =	ssyncset.done $0x0;
	(pc) =	sbr.rel @p0 .LBB2_4-.Ltmp1, $4  }
0x60: {  	s26 =	sadd.s32 $0x2800, s28;
	[sflag:s23] =	ssyncadd.s32 $0xFFFFC180  }
0x61: {  	[spmem:s2] =	stream.indirect.scatter.add.f32 [tilespmem:s22], [sflag:$0x2], $0x80, s26, s21, $0xb8;
	[tilespmem:$0x1F000] =	vst v63  }
0x62: {  	_ =	swait.ge [sflag:s18], $0x3E80  }
0x63: {  	s26 =	smov.u32 s29;
	[sflag:s18] =	ssyncset.done $0x0  }
0x64: {  	s25 =	sshra.s32 s25, $0x2;
	[sflag:s18] =	ssyncadd.s32 $0xFFFFC180  }
0x65: {  	[tilespmem:s22], [sflag:$0x1] =	stream.indirect.gather [hbm4b:s1+s21], $0x80, s25, s21, $0xb8;
	[tilespmem:$0x1F000] =	vst v63  }
0x66: {  	_ =	swait.ge [sflag:s23], $0x3E80  }
0x67: {  	[sflag:s23] =	ssyncset.done $0x0  }
0x68: {  	s25 =	sadd.s32 $0x2800, s25;
	[sflag:s23] =	ssyncadd.s32 $0xFFFFC180  }
0x69: {  	[spmem:s2] =	stream.indirect.scatter.add.f32 [tilespmem:s22], [sflag:$0x2], $0x80, s25, s21, $0xb8;
	[tilespmem:$0x1F000] =	vst v63  }
0x6a: {  	_ =	swait.ge [sflag:s18], $0x3E80  }
0x6b: {  	s31 =	sshll.u32 s3, $0x6;
	s4 =	sadd.s32 $0x1, s4;
	[sflag:s18] =	ssyncset.done $0x0  }
0x6c: {  	s26 =	sshrl.u32 s5, $0x3;
	p0 =	sne.s32 s4, s16;
	[sflag:s18] =	ssyncadd.s32 $0xFFFFC180  }
.Ltmp2:
0x6d: {  	s25 =	sor.u32 $0x1C02, s31;
	[bflag:$0x0] =	sbarrier.arrive $0xFFFF;
	(pc) =	sbr.rel @p0 .LBB2_1-.Ltmp2, $4  }
0x6e: {  	[hbm:s24], [sflag:s25] =	dma.local [spmem:s26], $0x2800  }
0x6f: {  	_ =	swait.ge [sflag:s18], $0x2800  }
0x70: {  	[sflag:s18] =	ssyncset.done $0x0  }
0x71: {  	[sflag:s18] =	ssyncadd.s32 $0xFFFFD800  }
0x72: {  	_ =	sfence.sel $0x180000  }
0x73: {  	[bflag:$0x0] =	sbarrier.arrive $0xFFFF  }
0x74: {  	p0 =	sne.s32 s3, $0x0;
	_ =	strace $0x9000004A  }
0x75: {  	s0 =	sadd.s32 @!p0 $0x100000, s0;
	[bflag:$0x2] =	sbarrier.arrive $0xFFFF  }
0x76: {  	[sflag:s0] =	ssyncadd.tile.s32 @!p0 $0x1;
	_ =	shalt  }
.Lfunc_end2:
_tile_overlayer_lowered:
.L_overlay_start_2:
0x77: {  	(tag) =	ssettag $0x2  }
0x78: {  	s0 =	rddreg [dreg:$0x0];
	s2 =	stileid.u32  }
0x79: {  	s1 =	rddreg [dreg:$0x1];
	p0 =	sne.s32 s2, $0x0  }
0x7a: {  	s3 =	rddreg [dreg:$0x2];
	[bflag:$0x3] =	sbarrier.arrive $0xFFFF;
	s2 =	simm.s32 @!p0 $0x1C02  }
0x7b: {  	[timem:s3], [sflag:s2] =	dma.local @!p0 [hbm:s0], s1  }
0x7c: {  	s0 =	simm.s32 @!p0 $0x2  }
0x7d: {  	_ =	swait.ge @!p0 [sflag:s0], s1  }
0x7e: {  	s1 =	ssub.s32 @!p0 $0x0, s1;
	[sflag:s0] =	ssyncset.done @!p0 $0x0  }
0x7f: {  	[sflag:s0] =	ssyncadd.s32 @!p0 s1  }
0x80: {  	[bflag:$0x3] =	sbarrier.arrive $0xFFFF  }
0x81: {  	_ =	shalt  }

// kernel: sage_sc_agg_cnt.3.cloned.1.call-start
scs
__scs_entry_jumppad:
0x0: {  	(pc) =	sbr.rel $0x88, $3  }
0x1: {  	(tag) =	ssettag $0x0;
	lr =	simm.s32 $0x1  }
0x2: {  	[smem:$0x3F99] =	sst lr;
	_ =	strace $0xD0000000  }
0x3: {  	_ = 	snop  }
0x4: {  	_ = 	snop  }
0x5: {  	_ = 	snop  }
0x6: {  	_ = 	snop  }
0x7: {  	_ = 	snop  }
__scs_overlays_trampoline_lowered:
0x8: {  	[smem:$0x3FA8] =	sst s0  }
0x9: {  	[smem:$0x3FA9] =	sst s1  }
0xa: {  	[smem:$0x3FAA] =	sst s2  }
0xb: {  	[smem:$0x3FAB] =	sst s3  }
0xc: {  	[smem:$0x3FAC] =	sst s4  }
0xd: {  	[smem:$0x3FAD] =	sst s5  }
0xe: {  	[smem:$0x3FAE] =	sst s6  }
0xf: {  	[smem:$0x3FAF] =	sst s7  }
0x10: {  	[smem:$0x3FB0] =	sst s8  }
0x11: {  	[smem:$0x3FB1] =	sst s9;
	s0 =	simm.s32 @!p0 $0x0  }
0x12: {  	s1 =	sld [smem:$0x3F97];
	s0 =	simm.s32 @p0 $0x1  }
0x13: {  	[smem:$0x3FB2] =	sst s0;
	s0 =	simm.s32 @!p1 $0x0  }
0x14: {  	s2 =	sld [smem:$0x3F96];
	s0 =	simm.s32 @p1 $0x1  }
0x15: {  	[smem:$0x3FB3] =	sst s0;
	s0 =	simm.s32 @!p2 $0x0  }
0x16: {  	s3 =	sld [smem:$0x3FDB];
	s0 =	simm.s32 @p2 $0x1  }
0x17: {  	s4 =	simm.s32 $0x1BF5;
	[smem:$0x3FB5] =	sst s0  }
0x18: {  	s0 =	sld [smem:$0x3F98];
	_ =	swait.ge [sflag:s4], $0x0  }
0x19: {  	s7 =	sld [smem:$0x3F99]  }
0x1a: {  	s8 =	sadd.s32 $0xFFFFE003, lr  }
0x1b: {  	s9 =	sadd.s32 $0xFFFFFEF7, lr;
	s5 =	simm.s32 $0xFFFFFFFF;
	p2 =	slt.u32 s8, $0xFFFFF086  }
0x1c: {  	p1 =	slt.u32 s9, $0xF7A;
	s5 =	simm.s32 @!p2 $0x0  }
0x1d: {  	s5 =	simm.s32 @p1 $0x1;
	p0 =	seq.s32 s7, s2  }
0x1e: {  	s7 =	smul.u32 @!p0 $0xF7A, s2;
	p2 =	seq.s32 @!p0 s5, $0x0  }
0x1f: {  	s9 =	smul.u32 $0xF7A, s1;
	s8 =	simm.s32 @!p0 $0x1BF5;
	p2 =	por !p2, p0  }
0x20: {  	[sflag:s8] =	ssyncset.s32 @!p0 $0xFFFFF086;
	s6 =	sadd.s32 @!p0 s3, s7;
	s7 =	simm.s32 @!p0 $0x108  }
0x21: {  	s3 =	sadd.s32 s3, s9;
	s6 =	sadd.s32 @!p0 $0x88, s6;
	s7 =	simm.s32 @p2 $0x1082  }
0x22: {  	[simem:s7], [sflag:s8] =	dma.local @!p0 [hbm:s6], $0xF7A  }
0x23: {  	s9 =	sor.u32 $0xD0000000, s2;
	s6 =	simm.s32 $0x108;
	_ =	swait.ge @!p0 [sflag:s8], $0x0  }
0x24: {  	s3 =	sadd.s32 $0x88, s3;
	s6 =	simm.s32 @!p1 $0x1082;
	[sflag:s4] =	ssyncset.s32 $0xFFFFF086  }
0x25: {  	[simem:s6], [sflag:s4] =	dma.local [hbm:s3], $0xF7A  }
0x26: {  	[smem:$0x3F99] =	sst s1;
	(tag) =	ssettag s2;
	_ =	strace s9  }
0x27: {  	s1 =	sld [smem:$0x3FA9]  }
0x28: {  	s2 =	sld [smem:$0x3FAA]  }
0x29: {  	s4 =	sld [smem:$0x3FAC]  }
0x2a: {  	p0 =	seq.s32 s5, $0x0;
	s5 =	sld [smem:$0x3FAD]  }
0x2b: {  	s6 =	sld [smem:$0x3FAE]  }
0x2c: {  	s7 =	sld [smem:$0x3FAF]  }
0x2d: {  	s3 =	simm.s32 $0x108;
	s8 =	sld [smem:$0x3FB0]  }
0x2e: {  	s3 =	simm.s32 @!p0 $0x1082;
	s9 =	sld [smem:$0x3FB1]  }
0x2f: {  	lr =	sadd.s32 s0, s3;
	s0 =	sld [smem:$0x3FA8]  }
0x30: {  	s3 =	sld [smem:$0x3FAB]  }
0x31: {  	[smem:$0x3FB4] =	sst s10  }
0x32: {  	s10 =	sld [smem:$0x3FB2];
	_ =	sdelay $0x3  }
0x33: {  	p0 =	seq.s32 s10, $0x1;
	s10 =	sld [smem:$0x3FB4];
	_ =	sdelay $0x3  }
0x34: {  	[smem:$0x3FB4] =	sst s10  }
0x35: {  	s10 =	sld [smem:$0x3FB3];
	_ =	sdelay $0x3  }
0x36: {  	p1 =	seq.s32 s10, $0x1;
	s10 =	sld [smem:$0x3FB4];
	_ =	sdelay $0x3  }
0x37: {  	[smem:$0x3FB4] =	sst s10  }
0x38: {  	s10 =	sld [smem:$0x3FB5]  }
0x39: {  	_ = 	snop;
	(pc) =	sbr.ind lr, $3  }
0x3a: {  	_ = 	snop  }
0x3b: {  	_ = 	snop  }
0x3c: {  	p2 =	seq.s32 s10, $0x1;
	s10 =	sld [smem:$0x3FB4]  }
0x3d: {  	_ =	shalt  }
0x3e: {  	_ =	shalt  }
0x3f: {  	_ =	shalt  }
0x40: {  	_ =	shalt  }
0x41: {  	_ =	shalt  }
0x42: {  	_ =	shalt  }
0x43: {  	_ =	shalt  }
0x44: {  	_ =	shalt  }
0x45: {  	_ =	shalt  }
0x46: {  	_ =	shalt  }
0x47: {  	_ =	shalt  }
0x48: {  	_ =	shalt  }
0x49: {  	_ =	shalt  }
0x4a: {  	_ =	shalt  }
0x4b: {  	_ =	shalt  }
0x4c: {  	_ =	shalt  }
0x4d: {  	_ =	shalt  }
0x4e: {  	_ =	shalt  }
0x4f: {  	_ =	shalt  }
0x50: {  	_ =	shalt  }
0x51: {  	_ =	shalt  }
0x52: {  	_ =	shalt  }
0x53: {  	_ =	shalt  }
0x54: {  	_ =	shalt  }
0x55: {  	_ =	shalt  }
0x56: {  	_ =	shalt  }
0x57: {  	_ =	shalt  }
0x58: {  	_ =	shalt  }
0x59: {  	_ =	shalt  }
0x5a: {  	_ =	shalt  }
0x5b: {  	_ =	shalt  }
0x5c: {  	_ =	shalt  }
0x5d: {  	_ =	shalt  }
0x5e: {  	_ =	shalt  }
0x5f: {  	_ =	shalt  }
0x60: {  	_ =	shalt  }
0x61: {  	_ =	shalt  }
0x62: {  	_ =	shalt  }
0x63: {  	_ =	shalt  }
0x64: {  	_ =	shalt  }
0x65: {  	_ =	shalt  }
0x66: {  	_ =	shalt  }
0x67: {  	_ =	shalt  }
0x68: {  	_ =	shalt  }
0x69: {  	_ =	shalt  }
0x6a: {  	_ =	shalt  }
0x6b: {  	_ =	shalt  }
0x6c: {  	_ =	shalt  }
0x6d: {  	_ =	shalt  }
0x6e: {  	_ =	shalt  }
0x6f: {  	_ =	shalt  }
0x70: {  	_ =	shalt  }
0x71: {  	_ =	shalt  }
0x72: {  	_ =	shalt  }
0x73: {  	_ =	shalt  }
0x74: {  	_ =	shalt  }
0x75: {  	_ =	shalt  }
0x76: {  	_ =	shalt  }
0x77: {  	_ =	shalt  }
0x78: {  	_ =	shalt  }
0x79: {  	_ =	shalt  }
0x7a: {  	_ =	shalt  }
0x7b: {  	_ =	shalt  }
0x7c: {  	_ =	shalt  }
0x7d: {  	_ =	shalt  }
0x7e: {  	_ =	shalt  }
0x7f: {  	_ =	shalt  }
0x80: {  	_ =	shalt  }
0x81: {  	_ =	shalt  }
0x82: {  	_ =	shalt  }
0x83: {  	_ =	shalt  }
0x84: {  	_ =	shalt  }
0x85: {  	_ =	shalt  }
0x86: {  	_ =	shalt  }
0x87: {  	_ =	shalt  }
.Lfunc_end0:
.L_simem_size_0:
called_computation_lowered:
.L_overlay_start_0:
0x88: {  	s2 =	sld [smem:$0x3FD9]  }
0x89: {  	s3 =	sld [smem:$0x3FFE];
	_ =	sdelay $0x1  }
0x8a: {  	s1 =	srdreg.scid  }
0x8b: {  	s0 =	sand.u32 $0x1, s1  }
0x8c: {  	s17 =	sshll.u32 s0, $0xA;
	s2 =	sadd.s32 s3, s2  }
0x8d: {  	s2 =	sadd.s32 s2, s17  }
0x8e: {  	[smem:$0x3FC0] =	sst s2  }
0x8f: {  	_ = 	snop  }
0x90: {  	s2 =	sld [smem:$0x3FC9]  }
0x91: {  	s18 =	sld [smem:$0x3FD0];
	(tm) =	ssettm $0x1  }
0x92: {  	s4 =	sld [smem:$0x3FFB];
	_ =	sdelay $0x3  }
0x93: {  	_ =	strace s4  }
0x94: {  	s4 =	sld [smem:$0x3FFC];
	_ =	sdelay $0x3  }
0x95: {  	_ =	strace s4  }
0x96: {  	s4 =	sld [smem:$0x3FFD];
	_ =	sdelay $0x3  }
0x97: {  	_ =	strace s4  }
0x98: {  	_ =	strace $0x8FFFFFFF  }
0x99: {  	s19 =	sld [smem:$0x3FDB];
	_ =	sdelay $0x1  }
0x9a: {  	s5 =	simm.s32 $_scs_section_size  }
0x9b: {  	s6 =	simm.s32 $_size__tile_overlayer_lowered;
	s7 =	simm.s32 $_tile_overlayer_lowered  }
0x9c: {  	s22 =	simm.s32 $0x1BFF;
	s21 =	sshll.u32 s7, $0x1;
	s4 =	sadd.s32 s5, s19  }
0x9d: {  	s8 =	simm.s32 $0x0;
	s20 =	sshll.u32 s6, $0x1;
	s6 =	sadd.s32 s21, s4  }
0x9e: {  	[timem:s8], [sflag:s22] =	dma.local [hbm:s6], s20  }
0x9f: {  	_ =	swait.ge [sflag:s22], s20  }
0xa0: {  	s5 =	ssub.s32 $0x0, s20;
	[sflag:s22] =	ssyncset.done $0x0  }
0xa1: {  	[sflag:s22] =	ssyncadd.s32 s5;
	_ =	sdelay $0x1  }
0xa2: {  	s23 =	simm.s32 $0x1B8B  }
0xa3: {  	_ =	swait.ge [sflag:s23], $0x1  }
0xa4: {  	[sflag:s23] =	ssyncset.done $0x0  }
0xa5: {  	s25 =	simm.s32 $0x1B8E;
	s24 =	sld [smem:$0x3FFE];
	[sflag:s23] =	ssyncadd.s32 $0xFFFFFFFF  }
0xa6: {  	s26 =	simm.s32 $execute0_lowered;
	[smem:$0x3FD2] =	sst s25  }
0xa7: {  	s6 =	sshll.u32 s26, $0x1;
	_ =	strace $0x80000046;
	[dreg:$0x1] =	wrdreg $0xFFFFFFFF  }
0xa8: {  	s28 =	simm.s32 $_size_execute0_lowered;
	s4 =	sadd.s32 s4, s6;
	[dreg:$0x0] =	wrdreg $0x0  }
0xa9: {  	s6 =	sshll.u32 s28, $0x1;
	[dreg:$0x2] =	wrdreg s4  }
0xaa: {  	[dreg:$0x3] =	wrdreg s6  }
0xab: {  	[dreg:$0x4] =	wrdreg $0xC0  }
0xac: {  	_ =	task [dreg:s8], $0x5FFFF  }
0xad: {  	[dreg:$0x1] =	wrdreg $0xFFFFFFFF  }
0xae: {  	[dreg:$0x0] =	wrdreg $0x60  }
0xaf: {  	[dreg:$0x2] =	wrdreg s2  }
0xb0: {  	[dreg:$0x3] =	wrdreg s24  }
0xb1: {  	[dreg:$0x4] =	wrdreg s18  }
0xb2: {  	[dreg:$0x5] =	wrdreg $0xB0800  }
0xb3: {  	[dreg:$0x6] =	wrdreg $0x1F0800  }
0xb4: {  	[dreg:$0x7] =	wrdreg $0x9  }
0xb5: {  	_ =	task.clear_ibuf [dreg:s8], $0x8FFFF;
	_ =	strace $0x90000046  }
0xb6: {  	s29 =	simm.s32 $0x9;
	_ =	strace $0x80000048  }
0xb7: {  	_ =	swait.ge [sflag:s29], $0x1  }
0xb8: {  	[sflag:s29] =	ssyncadd.s32 $0xFFFFFFFF  }
0xb9: {  	_ =	strace $0x90000048  }
0xba: {  	_ =	sfence  }
0xbb: {  	s30 =	sld [smem:$0x0];
	_ =	sdelay $0x2  }
0xbc: {  	s31 =	sshll.u32 s1, $0xD;
	s1 =	sshrl.u32 s1, $0x2  }
0xbd: {  	s3 =	sand.u32 $0x4000, s31;
	s1 =	sadd.s32 s1, s30  }
0xbe: {  	s0 =	sor.u32 s3, s0;
	s1 =	sshll.u32 s1, $0x11  }
0xbf: {  	s0 =	sor.u32 s1, s0  }
0xc0: {  	s0 =	sadd.s32 $0x8F2B, s0  }
0xc1: {  	[sflag:s0] =	ssyncadd.remote.s32 $0x1  }
0xc2: {  	_ =	sfence.sel $0xFFFF  }
0xc3: {  	[dreg:$0x0] =	wrdreg $0xFFFFFFFF;
	(pc) =	sbr.abs _section_cstart, $3  }
0xc4: {  	[dreg:$0x1] =	wrdreg $0xFFFFFFFF  }
0xc5: {  	_ =	task.clear_ibuf [dreg:s8], $0x2FFFF;
	_ =	strace $0x9FFFFFFF  }
0xc6: {  	(tm) =	ssettm $0x7FFFFFFF  }
0xc7: {  	_ =	shalt  }
tec
execute0_lowered:
.L_overlay_start_1:
0x0: {  	(tag) =	ssettag $0x1  }
0x1: {  	s0 =	rddreg [dreg:$0x0]  }
0x2: {  	s2 =	rddreg [dreg:$0x1]  }
0x3: {  	s6 =	rddreg [dreg:$0x2]  }
0x4: {  	s1 =	srdreg.scid;
	s3 =	rddreg [dreg:$0x3]  }
0x5: {  	s10 =	stileid.u32;
	s4 =	rddreg [dreg:$0x4]  }
0x6: {  	s28 =	simm.s32 $0x9080;
	s29 =	simm.s32 $0x2;
	s19 =	smul.u32 $0x280, s10  }
0x7: {  	s30 =	simm.s32 $0x9000;
	s31 =	simm.s32 $0x1;
	s9 =	smul.u32 $0x50000, s10  }
0x8: {  	s1 =	sand.u32 $0x1, s1;
	s11 =	sadd.s32 $0x16800, s2;
	s23 =	smul.u32 $0xA0, s10  }
0x9: {  	s8 =	sshll.u32 s1, $0x4;
	s7 =	smul.u32 $0x28000, s1;
	s1 =	ssub.s32 $0x2, s1  }
0xa: {  	s5 =	sor.u32 s10, s8;
	s12 =	sshrl.u32 s1, $0x1;
	s9 =	sshrl.u32 s9, $0x2  }
0xb: {  	s20 =	sadd.s32 $0x80, s19;
	s21 =	sadd.s32 $0x100, s19;
	s22 =	sadd.s32 $0x180, s19  }
0xc: {  	s6 =	sadd.s32 s6, s8;
	s25 =	sadd.s32 $0x200, s19;
	s19 =	sadd.s32 s19, s4  }
0xd: {  	s14 =	smul.u32 $0x500, s5;
	s5 =	simm.s32 $0x0;
	s15 =	sadd.s32 s7, s2  }
0xe: {  	s1 =	ssub.s32 s1, s12;
	s7 =	sadd.s32 s9, s3;
	s13 =	sshll.u32 s20, $0x7  }
0xf: {  	s18 =	sshll.u32 s21, $0x7;
	s26 =	sshll.u32 s25, $0x7;
	s20 =	sadd.s32 s20, s4  }
0x10: {  	s21 =	sadd.s32 s21, s4;
	[smem:$0x7FF] =	sst s5;
	s16 =	sadd.s32 $0x2000, s7  }
0x11: {  	s9 =	sadd.s32 s13, s3;
	_ =	strace $0x80000047;
	[dreg:$0x6] =	wrdreg s11  }
0x12: {  	s17 =	sadd.s32 $0x6000, s7;
	s12 =	sadd.s32 $0xA000, s7;
	[dreg:$0x7] =	wrdreg s16  }
0x13: {  	s13 =	sshll.u32 s22, $0x7;
	s15 =	sadd.s32 $0x16A00, s15;
	[dreg:$0x8] =	wrdreg s9  }
0x14: {  	s22 =	sadd.s32 s22, s4;
	s24 =	sadd.s32 s14, s2;
	[dreg:$0x9] =	wrdreg s17  }
0x15: {  	s11 =	sadd.s32 s18, s3;
	s13 =	sadd.s32 s13, s3;
	s2 =	sadd.s32 $0xC800, s2  }
0x16: {  	s16 =	smul.u32 $0x2800, s10;
	s17 =	sadd.s32 s23, s6;
	s18 =	sadd.s32 s26, s3  }
0x17: {  	s23 =	sadd.s32 s25, s4;
	s25 =	smax.u32 s1, $0x1;
	s26 =	sadd.s32 $0x12000, s7  }
0x18: {  	s1 =	simm.s32 $0x5000;
	s14 =	sadd.s32 s14, s2;
	s24 =	sadd.s32 $0x2800, s24  }
0x19: {  	v0 =	vimm.f32 $0.0e+00;
	s2 =	simm.s32 $0x7D;
	s15 =	sadd.s32 s16, s15;
	s16 =	sadd.s32 $0xE000, s7  }
.LBB2_1:
0x1a: {  	s6 =	simm.s32 $0x0;
	s8 =	simm.s32 $0x200  }
.LBB2_2:
0x1b: {  	p0 =	sne.s32 s8, $0x7E00;
	[tilespmem:s6+$0x90F0] =	vst v0  }
0x1c: {  	[tilespmem:s6+$0x9080] =	vst v0  }
0x1d: {  	[tilespmem:s6+$0x9090] =	vst v0  }
.Ltmp0:
0x1e: {  	[tilespmem:s6+$0x90A0] =	vst v0;
	(pc) =	sbr.rel @p0 .LBB2_2-.Ltmp0, $4  }
0x1f: {  	[tilespmem:s6+$0x90B0] =	vst v0  }
0x20: {  	[tilespmem:s6+$0x90C0] =	vst v0  }
0x21: {  	[tilespmem:s6+$0x90D0] =	vst v0  }
0x22: {  	[tilespmem:s6+$0x90E0] =	vst v0;
	s6 =	sshra.s32 s8, $0x2;
	s8 =	sadd.s32 $0x200, s8  }
0x23: {  	[tilespmem:s6+$0x90F0] =	vst v0  }
0x24: {  	[tilespmem:s6+$0x9080] =	vst v0  }
0x25: {  	[tilespmem:s6+$0x9090] =	vst v0  }
0x26: {  	[tilespmem:s6+$0x90A0] =	vst v0  }
0x27: {  	[tilespmem:s6+$0x90B0] =	vst v0  }
0x28: {  	[tilespmem:s6+$0x90C0] =	vst v0  }
0x29: {  	[tilespmem:s6+$0x90D0] =	vst v0  }
0x2a: {  	[tilespmem:s6+$0x90E0] =	vst v0  }
0x2b: {  	[spmem:s7] =	stream.linear.scatter [tilespmem:s28], [sflag:$0x2], $0x2000, $0x38;
	[tilespmem:$0x1F300] =	vst v63  }
0x2c: {  	_ =	swait.ge [sflag:s29], $0x2000  }
0x2d: {  	[sflag:s29] =	ssyncset.done $0x0  }
0x2e: {  	s9 =	rddreg [dreg:$0x7];
	[sflag:s29] =	ssyncadd.s32 $0xFFFFE000  }
0x2f: {  	[spmem:s9] =	stream.linear.scatter [tilespmem:s28], [sflag:$0x2], $0x2000, $0x38;
	[tilespmem:$0x1F300] =	vst v63  }
0x30: {  	_ =	swait.ge [sflag:s29], $0x2000  }
0x31: {  	[sflag:s29] =	ssyncset.done $0x0  }
0x32: {  	s10 =	rddreg [dreg:$0x8];
	[sflag:s29] =	ssyncadd.s32 $0xFFFFE000  }
0x33: {  	[spmem:s10] =	stream.linear.scatter [tilespmem:s28], [sflag:$0x2], $0x2000, $0x38;
	[tilespmem:$0x1F300] =	vst v63  }
0x34: {  	_ =	swait.ge [sflag:s29], $0x2000  }
0x35: {  	[sflag:s29] =	ssyncset.done $0x0  }
0x36: {  	s8 =	rddreg [dreg:$0x9];
	[sflag:s29] =	ssyncadd.s32 $0xFFFFE000  }
0x37: {  	[spmem:s8] =	stream.linear.scatter [tilespmem:s28], [sflag:$0x2], $0x2000, $0x38;
	[tilespmem:$0x1F300] =	vst v63  }
0x38: {  	_ =	swait.ge [sflag:s29], $0x2000  }
0x39: {  	[sflag:s29] =	ssyncset.done $0x0  }
0x3a: {  	[sflag:s29] =	ssyncadd.s32 $0xFFFFE000  }
0x3b: {  	[spmem:s11] =	stream.linear.scatter [tilespmem:s28], [sflag:$0x2], $0x2000, $0x38;
	[tilespmem:$0x1F300] =	vst v63  }
0x3c: {  	_ =	swait.ge [sflag:s29], $0x2000  }
0x3d: {  	[sflag:s29] =	ssyncset.done $0x0  }
0x3e: {  	[sflag:s29] =	ssyncadd.s32 $0xFFFFE000  }
0x3f: {  	[spmem:s12] =	stream.linear.scatter [tilespmem:s28], [sflag:$0x2], $0x2000, $0x38;
	[tilespmem:$0x1F300] =	vst v63  }
0x40: {  	_ =	swait.ge [sflag:s29], $0x2000  }
0x41: {  	[sflag:s29] =	ssyncset.done $0x0  }
0x42: {  	[sflag:s29] =	ssyncadd.s32 $0xFFFFE000  }
0x43: {  	[spmem:s13] =	stream.linear.scatter [tilespmem:s28], [sflag:$0x2], $0x2000, $0x38;
	[tilespmem:$0x1F300] =	vst v63  }
0x44: {  	_ =	swait.ge [sflag:s29], $0x2000  }
0x45: {  	[sflag:s29] =	ssyncset.done $0x0  }
0x46: {  	[sflag:s29] =	ssyncadd.s32 $0xFFFFE000  }
0x47: {  	[spmem:s16] =	stream.linear.scatter [tilespmem:s28], [sflag:$0x2], $0x2000, $0x38;
	[tilespmem:$0x1F300] =	vst v63  }
0x48: {  	_ =	swait.ge [sflag:s29], $0x2000  }
0x49: {  	[sflag:s29] =	ssyncset.done $0x0  }
0x4a: {  	[sflag:s29] =	ssyncadd.s32 $0xFFFFE000  }
0x4b: {  	[spmem:s18] =	stream.linear.scatter [tilespmem:s28], [sflag:$0x2], $0x2000, $0x38;
	[tilespmem:$0x1F300] =	vst v63  }
0x4c: {  	_ =	swait.ge [sflag:s29], $0x2000  }
0x4d: {  	[sflag:s29] =	ssyncset.done $0x0  }
0x4e: {  	[sflag:s29] =	ssyncadd.s32 $0xFFFFE000  }
0x4f: {  	[spmem:s26] =	stream.linear.scatter [tilespmem:s28], [sflag:$0x2], $0x2000, $0x38;
	[tilespmem:$0x1F300] =	vst v63  }
0x50: {  	_ =	swait.ge [sflag:s29], $0x2000  }
0x51: {  	[sflag:s29] =	ssyncset.done $0x0  }
0x52: {  	[sflag:s29] =	ssyncadd.s32 $0xFFFFE000  }
0x53: {  	[spmem:s19] =	stream.linear.scatter [tilespmem:s28], [sflag:$0x2], $0x80, $0x38;
	[tilespmem:$0x1F300] =	vst v63  }
0x54: {  	_ =	swait.ge [sflag:s29], $0x80  }
0x55: {  	[sflag:s29] =	ssyncset.done $0x0  }
0x56: {  	[sflag:s29] =	ssyncadd.s32 $0xFFFFFF80  }
0x57: {  	[spmem:s20] =	stream.linear.scatter [tilespmem:s28], [sflag:$0x2], $0x80, $0x38;
	[tilespmem:$0x1F300] =	vst v63  }
0x58: {  	_ =	swait.ge [sflag:s29], $0x80  }
0x59: {  	[sflag:s29] =	ssyncset.done $0x0  }
0x5a: {  	[sflag:s29] =	ssyncadd.s32 $0xFFFFFF80  }
0x5b: {  	[spmem:s21] =	stream.linear.scatter [tilespmem:s28], [sflag:$0x2], $0x80, $0x38;
	[tilespmem:$0x1F300] =	vst v63  }
0x5c: {  	_ =	swait.ge [sflag:s29], $0x80  }
0x5d: {  	[sflag:s29] =	ssyncset.done $0x0  }
0x5e: {  	[sflag:s29] =	ssyncadd.s32 $0xFFFFFF80  }
0x5f: {  	[spmem:s22] =	stream.linear.scatter [tilespmem:s28], [sflag:$0x2], $0x80, $0x38;
	[tilespmem:$0x1F300] =	vst v63  }
0x60: {  	_ =	swait.ge [sflag:s29], $0x80  }
0x61: {  	[sflag:s29] =	ssyncset.done $0x0  }
0x62: {  	[sflag:s29] =	ssyncadd.s32 $0xFFFFFF80  }
0x63: {  	[spmem:s23] =	stream.linear.scatter [tilespmem:s28], [sflag:$0x2], $0x80, $0x38;
	[tilespmem:$0x1F300] =	vst v63  }
0x64: {  	_ =	swait.ge [sflag:s29], $0x80  }
0x65: {  	[sflag:s29] =	ssyncset.done $0x0  }
0x66: {  	s9 =	simm.s32 $0x0;
	s8 =	rddreg [dreg:$0x6];
	[sflag:s29] =	ssyncadd.s32 $0xFFFFFF80  }
0x67: {  	[tilespmem:s30], [sflag:$0x2] =	stream.linear.gather [hbm4b:s8+s9], $0x80, $0x38;
	[tilespmem:$0x1F300] =	vst v63  }
0x68: {  	_ =	swait.ge [sflag:s29], $0x80  }
0x69: {  	[sflag:s29] =	ssyncset.done $0x0  }
0x6a: {  	[sflag:s29] =	ssyncadd.s32 $0xFFFFFF80  }
0x6b: {  	[tilespmem:s9], [sflag:$0x2] =	stream.linear.gather [hbm4b:s24+s9], $0x2800, $0x38;
	[tilespmem:$0x1F300] =	vst v63  }
0x6c: {  	_ =	swait.ge [sflag:s29], $0x2800  }
0x6d: {  	[sflag:s29] =	ssyncset.done $0x0  }
0x6e: {  	s10 =	simm.s32 $0x2800;
	[sflag:s29] =	ssyncadd.s32 $0xFFFFD800  }
0x6f: {  	[tilespmem:s10], [sflag:$0x2] =	stream.linear.gather [hbm4b:s14+s9], $0x2800, $0x38;
	[tilespmem:$0x1F300] =	vst v63  }
0x70: {  	_ =	swait.ge [sflag:s29], $0x2800  }
0x71: {  	[sflag:s29] =	ssyncset.done $0x0  }
0x72: {  	[sflag:s29] =	ssyncadd.s32 $0xFFFFD800  }
0x73: {  	s9 =	simm.s32 $0x0;
	[bflag:$0x0] =	sbarrier.arrive $0xFFFF  }
0x74: {  	[tilespmem:s1], [sflag:$0x1] =	stream.indirect.gather [hbm4b:s0+s2], $0x80, s9, s2, $0xb8;
	[tilespmem:$0x1F300] =	vst v63  }
0x75: {  	_ =	swait.ge [sflag:s31], $0x3E80  }
0x76: {  	[sflag:s31] =	ssyncset.done $0x0  }
0x77: {  	s10 =	simm.s32 $0x2800;
	[sflag:s31] =	ssyncadd.s32 $0xFFFFC180  }
0x78: {  	[spmem:s3] =	stream.indirect.scatter.add.f32 [tilespmem:s1], [sflag:$0x2], $0x80, s10, s2, $0xb8;
	[tilespmem:$0x1F300] =	vst v63  }
0x79: {  	_ =	swait.ge [sflag:s29], $0x3E80  }
0x7a: {  	[sflag:s29] =	ssyncset.done $0x0  }
0x7b: {  	[sflag:s29] =	ssyncadd.s32 $0xFFFFC180  }
0x7c: {  	[spmem:s4] =	stream.indirect.scatter.add.f32 [tilespmem:s30], [sflag:$0x2], $0x1, s10, s2, $0xb8;
	[tilespmem:$0x1F300] =	vst v63  }
0x7d: {  	_ =	swait.ge [sflag:s29], $0x7D  }
0x7e: {  	s6 =	simm.s32 $0x200;
	s8 =	simm.s32 $0x400;
	[sflag:s29] =	ssyncset.done $0x0  }
.LBB2_4:
0x7f: {  	s9 =	sshra.s32 s6, $0x2  }
0x80: {  	[sflag:s29] =	ssyncadd.s32 $0xFFFFFF83;
	s6 =	smov.u32 s8;
	s10 =	sadd.s32 $0x200, s8  }
0x81: {  	[tilespmem:s1], [sflag:$0x1] =	stream.indirect.gather [hbm4b:s0+s2], $0x80, s9, s2, $0xb8;
	[tilespmem:$0x1F300] =	vst v63  }
0x82: {  	p0 =	sne.s32 s8, $0x9E00;
	_ =	swait.ge [sflag:s31], $0x3E80  }
0x83: {  	[sflag:s31] =	ssyncset.done $0x0  }
0x84: {  	s8 =	sadd.s32 $0x2800, s9;
	[sflag:s31] =	ssyncadd.s32 $0xFFFFC180  }
0x85: {  	[spmem:s3] =	stream.indirect.scatter.add.f32 [tilespmem:s1], [sflag:$0x2], $0x80, s8, s2, $0xb8;
	[tilespmem:$0x1F300] =	vst v63  }
0x86: {  	_ =	swait.ge [sflag:s29], $0x3E80  }
.Ltmp1:
0x87: {  	[sflag:s29] =	ssyncset.done $0x0;
	(pc) =	sbr.rel @p0 .LBB2_4-.Ltmp1, $4  }
0x88: {  	[sflag:s29] =	ssyncadd.s32 $0xFFFFC180  }
0x89: {  	[spmem:s4] =	stream.indirect.scatter.add.f32 [tilespmem:s30], [sflag:$0x2], $0x1, s8, s2, $0xb8;
	[tilespmem:$0x1F300] =	vst v63  }
0x8a: {  	_ =	swait.ge [sflag:s29], $0x7D  }
0x8b: {  	s8 =	smov.u32 s10;
	[sflag:s29] =	ssyncset.done $0x0  }
0x8c: {  	s6 =	sshra.s32 s6, $0x2;
	[sflag:s29] =	ssyncadd.s32 $0xFFFFFF83  }
0x8d: {  	[tilespmem:s1], [sflag:$0x1] =	stream.indirect.gather [hbm4b:s0+s2], $0x80, s6, s2, $0xb8;
	[tilespmem:$0x1F300] =	vst v63  }
0x8e: {  	_ =	swait.ge [sflag:s31], $0x3E80  }
0x8f: {  	[sflag:s31] =	ssyncset.done $0x0  }
0x90: {  	s6 =	sadd.s32 $0x2800, s6;
	[sflag:s31] =	ssyncadd.s32 $0xFFFFC180  }
0x91: {  	[spmem:s3] =	stream.indirect.scatter.add.f32 [tilespmem:s1], [sflag:$0x2], $0x80, s6, s2, $0xb8;
	[tilespmem:$0x1F300] =	vst v63  }
0x92: {  	_ =	swait.ge [sflag:s29], $0x3E80  }
0x93: {  	[sflag:s29] =	ssyncset.done $0x0  }
0x94: {  	[sflag:s29] =	ssyncadd.s32 $0xFFFFC180  }
0x95: {  	[spmem:s4] =	stream.indirect.scatter.add.f32 [tilespmem:s30], [sflag:$0x2], $0x1, s6, s2, $0xb8;
	[tilespmem:$0x1F300] =	vst v63  }
0x96: {  	_ =	swait.ge [sflag:s29], $0x7D  }
0x97: {  	s10 =	stileid.u32;
	[sflag:s29] =	ssyncset.done $0x0  }
0x98: {  	s6 =	sshll.u32 s10, $0x6;
	[sflag:s29] =	ssyncadd.s32 $0xFFFFFF83  }
0x99: {  	s8 =	sshrl.u32 s7, $0x3;
	s6 =	sor.u32 $0x1C02, s6;
	[bflag:$0x0] =	sbarrier.arrive $0xFFFF  }
0x9a: {  	[hbm:s15], [sflag:s6] =	dma.local [spmem:s8], $0x2800  }
0x9b: {  	s9 =	simm.s32 $0x20;
	s5 =	sadd.s32 $0x1, s5;
	_ =	swait.ge [sflag:s29], $0x2800  }
0x9c: {  	p0 =	sne.s32 s5, s25;
	s10 =	simm.s32 $0x10;
	[sflag:s29] =	ssyncset.done $0x0  }
.Ltmp2:
0x9d: {  	s8 =	sshrl.u32 s19, $0x3;
	[sflag:s29] =	ssyncadd.s32 $0xFFFFD800;
	(pc) =	sbr.rel @p0 .LBB2_1-.Ltmp2, $4  }
0x9e: {  	[hbm:s17@s9], [sflag:s6] =	dma.strided [spmem:s8@s10], $0x50, s31, $0x10   }
0x9f: {  	_ =	swait.ge [sflag:s29], $0x50  }
0xa0: {  	[sflag:s29] =	ssyncset.done $0x0  }
0xa1: {  	[sflag:s29] =	ssyncadd.s32 $0xFFFFFFB0  }
0xa2: {  	_ =	sfence.sel $0x180000  }
0xa3: {  	[bflag:$0x0] =	sbarrier.arrive $0xFFFF  }
0xa4: {  	_ =	strace $0x90000047  }
0xa5: {  	s0 =	stileid.u32;
	[bflag:$0x2] =	sbarrier.arrive $0xFFFF  }
0xa6: {  	p0 =	sne.s32 s0, $0x0;
	s0 =	rddreg [dreg:$0x5]  }
0xa7: {  	s0 =	sadd.s32 @!p0 $0x100000, s0  }
0xa8: {  	[sflag:s0] =	ssyncadd.tile.s32 @!p0 $0x1;
	_ =	shalt  }
.Lfunc_end2:
_tile_overlayer_lowered:
.L_overlay_start_2:
0xa9: {  	(tag) =	ssettag $0x2  }
0xaa: {  	s0 =	rddreg [dreg:$0x0];
	s2 =	stileid.u32  }
0xab: {  	s1 =	rddreg [dreg:$0x1];
	p0 =	sne.s32 s2, $0x0  }
0xac: {  	s3 =	rddreg [dreg:$0x2];
	[bflag:$0x3] =	sbarrier.arrive $0xFFFF;
	s2 =	simm.s32 @!p0 $0x1C02  }
0xad: {  	[timem:s3], [sflag:s2] =	dma.local @!p0 [hbm:s0], s1  }
0xae: {  	s0 =	simm.s32 @!p0 $0x2  }
0xaf: {  	_ =	swait.ge @!p0 [sflag:s0], s1  }
0xb0: {  	s1 =	ssub.s32 @!p0 $0x0, s1;
	[sflag:s0] =	ssyncset.done @!p0 $0x0  }
0xb1: {  	[sflag:s0] =	ssyncadd.s32 @!p0 s1  }
0xb2: {  	[bflag:$0x3] =	sbarrier.arrive $0xFFFF  }
0xb3: {  	_ =	shalt  }

</sc_bundles>
